<compile_context>
chip_gen: v7x
topology: tpu7x:2x2x1
jax: 0.10.2.dev20260603
libtpu: 0.0.44.dev20260713+nightly
codegen_flags: <defaults>
</compile_context>

<pallas_src>
import functools

import jax
import jax.numpy as jnp
from jax import lax
from jax.experimental import pallas as pl
from jax.experimental.pallas import tpu as pltpu
from jax.experimental.pallas import tpu_sc as plsc

_G = 512
_D = 32
_C = 4096
_NC = 2
_NS = 16
_GENES_PER_W = _G // (_NC * _NS)


def _sc_rows_body(sc_hbm, out_hbm, row_buf, row_sem):
    cid = lax.axis_index("c")
    sid = lax.axis_index("s")
    wid = sid * _NC + cid
    g0 = wid * _GENES_PER_W

    pltpu.sync_copy(sc_hbm.at[pl.ds(g0, _GENES_PER_W), :], row_buf)
    for k in range(_GENES_PER_W):
        pltpu.async_copy(
            row_buf.at[pl.ds(k, 1), :],
            out_hbm.at[g0 + k, pl.ds(_D, 1), :],
            row_sem,
        )
    for k in range(_GENES_PER_W):
        pltpu.make_async_copy(
            row_buf.at[pl.ds(k, 1), :],
            out_hbm.at[g0 + k, pl.ds(_D, 1), :],
            row_sem,
        ).wait()


def _tc_slabs_body(w_ref, buf_ref, out_ref, wt_ref):
    del buf_ref
    gblk = out_ref.shape[0]
    d = w_ref.shape[1]
    c = w_ref.shape[0]

    @pl.when(pl.program_id(0) == 0)
    def _():
        wt_ref[...] = jnp.transpose(w_ref[...], (1, 0))

    out_ref[...] = jnp.broadcast_to(wt_ref[...][None, :, :], (gblk, d, c))


def kernel(scRNA_count, embedding_weight):
    g, c = scRNA_count.shape
    c2, d = embedding_weight.shape
    assert (g, c, c2, d) == (_G, _C, _C, _D)

    mesh = plsc.VectorSubcoreMesh(core_axis_name="c", subcore_axis_name="s")
    rows_call = functools.partial(
        pl.kernel,
        mesh=mesh,
        out_type=jax.ShapeDtypeStruct((_G, _D + 1, _C), jnp.float32),
        scratch_types=[
            pltpu.VMEM((_GENES_PER_W, _C), jnp.float32),
            pltpu.SemaphoreType.DMA,
        ],
    )(_sc_rows_body)
    buf = rows_call(scRNA_count)

    gblk = 16
    return pl.pallas_call(
        _tc_slabs_body,
        grid=(g // gblk,),
        in_specs=[
            pl.BlockSpec((c, d), lambda i: (0, 0)),
            pl.BlockSpec(memory_space=pltpu.MemorySpace.HBM),
        ],
        out_specs=pl.BlockSpec((gblk, d, c), lambda i: (i, 0, 0)),
        out_shape=jax.ShapeDtypeStruct((g, d + 1, c), jnp.float32),
        scratch_shapes=[pltpu.VMEM((d, c), jnp.float32)],
        input_output_aliases={1: 0},
    )(embedding_weight, buf)

# --- scband reference (transcript-rebuilt; emitter-appended) ---
"""Pipeline reference for scband-sc-rnaseq-embedding-32547262169774 (READ-ONLY COPY).

The authoritative reference and input builder live on the scoring server;
editing this copy changes nothing except your own understanding.
"""

import jax, jax.numpy as jnp
import numpy as np

NUM_CELLS = 4096
EMBED_DIM = 32
NUM_GENES = 512


def _xavier_uniform(key, shape):
    fan_in, fan_out = shape[0], shape[1]
    bound = np.sqrt(6.0 / (fan_in + fan_out))
    return jax.random.uniform(key, shape, dtype=jnp.float32, minval=-bound, maxval=bound)


def setup_inputs(seed: int = 0) -> dict:
    key = jax.random.key(seed)
    k1, k2 = jax.random.split(key)
    scRNA_count = jax.random.uniform(k1, (NUM_GENES, NUM_CELLS), dtype=jnp.float32)
    embedding_weight = _xavier_uniform(k2, (NUM_CELLS, EMBED_DIM))
    return {"scRNA_count": scRNA_count, "embedding_weight": embedding_weight}


def reference(scRNA_count, embedding_weight):
    num_genes, num_cells = scRNA_count.shape
    # embedding lookup of arange(num_cells) -> full table gather
    idx = jnp.arange(num_cells)
    embedded_cells = jnp.take(embedding_weight, idx, axis=0)  # [num_cells, D]
    embedded_cells = jnp.transpose(embedded_cells, (1, 0))    # [D, num_cells]
    embedded_cells = jnp.tile(embedded_cells[None, :, :], (num_genes, 1, 1))  # [G, D, C]
    scRNA_count_expanded = scRNA_count[:, None, :]            # [G, 1, C]
    embedding_with_counts = jnp.concatenate([embedded_cells, scRNA_count_expanded], axis=1)
    return embedding_with_counts

if __name__ == "__main__":
    import jax
    _d = setup_inputs()
    print(jax.jit(kernel)(*tuple(_d.values())))

</pallas_src>

<mosaic_0001>
#map = affine_map<(d0, d1) -> (0, 0)>
#map1 = affine_map<(d0, d1) -> (0, 0, 0)>
module attributes {stable_mosaic.version = 14 : i64} {
  func.func @_sc_rows_body(%arg0: i32, %arg1: i32, %arg2: memref<512x4096xf32, #tpu.memory_space<hbm>>, %arg3: memref<512x33x4096xf32, #tpu.memory_space<hbm>>, %arg4: memref<16x4096xf32, #tpu.memory_space<vmem>>, %arg5: memref<!tpu.dma_semaphore, #tpu.memory_space<semaphore_mem>>) attributes {dimension_semantics = [#tpu.dimension_semantics<core_parallel>, #tpu.dimension_semantics<subcore_parallel>], iteration_bounds = array<i64: 2, 16>, scalar_prefetch = 0 : i64, scratch_operands = 2 : i64, tpu.core_type = #tpu.core_type<sc_vector_subcore>, window_params = [{transform_indices = #map}, {transform_indices = #map1}]} {
    %mul3A = arith.constant 2 : i32
    %mul3A_0 = arith.muli %arg1, %mul3A : i32
    %add3A = arith.addi %mul3A_0, %arg0 : i32
    %mul3A_1 = arith.constant 16 : i32
    %mul3A_2 = arith.muli %add3A, %mul3A_1 : i32
    "tpu.region"() ({
      %run_scoped3A = tpu.sem_alloc : memref<!tpu.dma_semaphore, #tpu.memory_space<semaphore_mem>>
      %dma_start3A_513 = arith.constant 0 : i32
      %dma_start3A_514 = tpu.memref_slice %arg2[%mul3A_2, %dma_start3A_513] : memref<512x4096xf32, #tpu.memory_space<hbm>> -> memref<16x4096xf32, #tpu.memory_space<hbm>>
      %dma_start3A_515 = arith.constant 0 : i32
      %dma_start3A_516 = tpu.memref_slice %arg2[%mul3A_2, %dma_start3A_515] : memref<512x4096xf32, #tpu.memory_space<hbm>> -> memref<16x4096xf32, #tpu.memory_space<hbm>>
      tpu.enqueue_dma source(%dma_start3A_516 : memref<16x4096xf32, #tpu.memory_space<hbm>>) target(%arg4 : memref<16x4096xf32, #tpu.memory_space<vmem>>) target_semaphore(%run_scoped3A : memref<!tpu.dma_semaphore, #tpu.memory_space<semaphore_mem>>)
      %dma_wait3A_517 = arith.constant 0 : i32
      %dma_wait3A_518 = tpu.memref_slice %arg2[%mul3A_2, %dma_wait3A_517] : memref<512x4096xf32, #tpu.memory_space<hbm>> -> memref<16x4096xf32, #tpu.memory_space<hbm>>
      %dma_wait3A_519 = arith.constant 0 : i32
      %dma_wait3A_520 = tpu.memref_slice %arg2[%mul3A_2, %dma_wait3A_519] : memref<512x4096xf32, #tpu.memory_space<hbm>> -> memref<16x4096xf32, #tpu.memory_space<hbm>>
      tpu.wait_dma2 semaphore(%run_scoped3A : memref<!tpu.dma_semaphore, #tpu.memory_space<semaphore_mem>>) src(%dma_wait3A_520 : memref<16x4096xf32, #tpu.memory_space<hbm>>) dst(%arg4 : memref<16x4096xf32, #tpu.memory_space<vmem>>)
      tpu.yield
    }) : () -> ()
    %add3A_3 = arith.constant 0 : i32
    %add3A_4 = arith.addi %mul3A_2, %add3A_3 : i32
    %dma_start3A = arith.constant 0 : i32
    %dma_start3A_5 = arith.constant 0 : i32
    %dma_start3A_6 = tpu.memref_slice %arg4[%dma_start3A, %dma_start3A_5] : memref<16x4096xf32, #tpu.memory_space<vmem>> -> memref<1x4096xf32, #tpu.memory_space<vmem>>
    %dma_start3A_7 = arith.constant 32 : i32
    %dma_start3A_8 = arith.constant 0 : i32
    %dma_start3A_9 = tpu.memref_slice %arg3[%add3A_4, %dma_start3A_7, %dma_start3A_8] : memref<512x33x4096xf32, #tpu.memory_space<hbm>> -> memref<1x1x4096xf32, #tpu.memory_space<hbm>>
    %dma_start3A_10 = tpu.memref_squeeze %dma_start3A_9 : memref<1x1x4096xf32, #tpu.memory_space<hbm>> -> memref<1x4096xf32, #tpu.memory_space<hbm>>
    %dma_start3A_11 = arith.constant 32 : i32
    %dma_start3A_12 = arith.constant 0 : i32
    %dma_start3A_13 = tpu.memref_slice %arg3[%add3A_4, %dma_start3A_11, %dma_start3A_12] : memref<512x33x4096xf32, #tpu.memory_space<hbm>> -> memref<1x1x4096xf32, #tpu.memory_space<hbm>>
    %dma_start3A_14 = tpu.memref_squeeze %dma_start3A_13 : memref<1x1x4096xf32, #tpu.memory_space<hbm>> -> memref<1x4096xf32, #tpu.memory_space<hbm>>
    %dma_start3A_15 = arith.constant 0 : i32
    %dma_start3A_16 = arith.constant 0 : i32
    %dma_start3A_17 = tpu.memref_slice %arg4[%dma_start3A_15, %dma_start3A_16] : memref<16x4096xf32, #tpu.memory_space<vmem>> -> memref<1x4096xf32, #tpu.memory_space<vmem>>
    tpu.enqueue_dma source(%dma_start3A_17 : memref<1x4096xf32, #tpu.memory_space<vmem>>) target(%dma_start3A_14 : memref<1x4096xf32, #tpu.memory_space<hbm>>) target_semaphore(%arg5 : memref<!tpu.dma_semaphore, #tpu.memory_space<semaphore_mem>>)
    %add3A_18 = arith.constant 1 : i32
    %add3A_19 = arith.addi %mul3A_2, %add3A_18 : i32
    %dma_start3A_20 = arith.constant 1 : i32
    %dma_start3A_21 = arith.constant 0 : i32
    %dma_start3A_22 = tpu.memref_slice %arg4[%dma_start3A_20, %dma_start3A_21] : memref<16x4096xf32, #tpu.memory_space<vmem>> -> memref<1x4096xf32, #tpu.memory_space<vmem>>
    %dma_start3A_23 = arith.constant 32 : i32
    %dma_start3A_24 = arith.constant 0 : i32
    %dma_start3A_25 = tpu.memref_slice %arg3[%add3A_19, %dma_start3A_23, %dma_start3A_24] : memref<512x33x4096xf32, #tpu.memory_space<hbm>> -> memref<1x1x4096xf32, #tpu.memory_space<hbm>>
    %dma_start3A_26 = tpu.memref_squeeze %dma_start3A_25 : memref<1x1x4096xf32, #tpu.memory_space<hbm>> -> memref<1x4096xf32, #tpu.memory_space<hbm>>
    %dma_start3A_27 = arith.constant 32 : i32
    %dma_start3A_28 = arith.constant 0 : i32
    %dma_start3A_29 = tpu.memref_slice %arg3[%add3A_19, %dma_start3A_27, %dma_start3A_28] : memref<512x33x4096xf32, #tpu.memory_space<hbm>> -> memref<1x1x4096xf32, #tpu.memory_space<hbm>>
    %dma_start3A_30 = tpu.memref_squeeze %dma_start3A_29 : memref<1x1x4096xf32, #tpu.memory_space<hbm>> -> memref<1x4096xf32, #tpu.memory_space<hbm>>
    %dma_start3A_31 = arith.constant 1 : i32
    %dma_start3A_32 = arith.constant 0 : i32
    %dma_start3A_33 = tpu.memref_slice %arg4[%dma_start3A_31, %dma_start3A_32] : memref<16x4096xf32, #tpu.memory_space<vmem>> -> memref<1x4096xf32, #tpu.memory_space<vmem>>
    tpu.enqueue_dma source(%dma_start3A_33 : memref<1x4096xf32, #tpu.memory_space<vmem>>) target(%dma_start3A_30 : memref<1x4096xf32, #tpu.memory_space<hbm>>) target_semaphore(%arg5 : memref<!tpu.dma_semaphore, #tpu.memory_space<semaphore_mem>>)
    %add3A_34 = arith.constant 2 : i32
    %add3A_35 = arith.addi %mul3A_2, %add3A_34 : i32
    %dma_start3A_36 = arith.constant 2 : i32
    %dma_start3A_37 = arith.constant 0 : i32
    %dma_start3A_38 = tpu.memref_slice %arg4[%dma_start3A_36, %dma_start3A_37] : memref<16x4096xf32, #tpu.memory_space<vmem>> -> memref<1x4096xf32, #tpu.memory_space<vmem>>
    %dma_start3A_39 = arith.constant 32 : i32
    %dma_start3A_40 = arith.constant 0 : i32
    %dma_start3A_41 = tpu.memref_slice %arg3[%add3A_35, %dma_start3A_39, %dma_start3A_40] : memref<512x33x4096xf32, #tpu.memory_space<hbm>> -> memref<1x1x4096xf32, #tpu.memory_space<hbm>>
    %dma_start3A_42 = tpu.memref_squeeze %dma_start3A_41 : memref<1x1x4096xf32, #tpu.memory_space<hbm>> -> memref<1x4096xf32, #tpu.memory_space<hbm>>
    %dma_start3A_43 = arith.constant 32 : i32
    %dma_start3A_44 = arith.constant 0 : i32
    %dma_start3A_45 = tpu.memref_slice %arg3[%add3A_35, %dma_start3A_43, %dma_start3A_44] : memref<512x33x4096xf32, #tpu.memory_space<hbm>> -> memref<1x1x4096xf32, #tpu.memory_space<hbm>>
    %dma_start3A_46 = tpu.memref_squeeze %dma_start3A_45 : memref<1x1x4096xf32, #tpu.memory_space<hbm>> -> memref<1x4096xf32, #tpu.memory_space<hbm>>
    %dma_start3A_47 = arith.constant 2 : i32
    %dma_start3A_48 = arith.constant 0 : i32
    %dma_start3A_49 = tpu.memref_slice %arg4[%dma_start3A_47, %dma_start3A_48] : memref<16x4096xf32, #tpu.memory_space<vmem>> -> memref<1x4096xf32, #tpu.memory_space<vmem>>
    tpu.enqueue_dma source(%dma_start3A_49 : memref<1x4096xf32, #tpu.memory_space<vmem>>) target(%dma_start3A_46 : memref<1x4096xf32, #tpu.memory_space<hbm>>) target_semaphore(%arg5 : memref<!tpu.dma_semaphore, #tpu.memory_space<semaphore_mem>>)
    %add3A_50 = arith.constant 3 : i32
    %add3A_51 = arith.addi %mul3A_2, %add3A_50 : i32
    %dma_start3A_52 = arith.constant 3 : i32
    %dma_start3A_53 = arith.constant 0 : i32
    %dma_start3A_54 = tpu.memref_slice %arg4[%dma_start3A_52, %dma_start3A_53] : memref<16x4096xf32, #tpu.memory_space<vmem>> -> memref<1x4096xf32, #tpu.memory_space<vmem>>
    %dma_start3A_55 = arith.constant 32 : i32
    %dma_start3A_56 = arith.constant 0 : i32
    %dma_start3A_57 = tpu.memref_slice %arg3[%add3A_51, %dma_start3A_55, %dma_start3A_56] : memref<512x33x4096xf32, #tpu.memory_space<hbm>> -> memref<1x1x4096xf32, #tpu.memory_space<hbm>>
    %dma_start3A_58 = tpu.memref_squeeze %dma_start3A_57 : memref<1x1x4096xf32, #tpu.memory_space<hbm>> -> memref<1x4096xf32, #tpu.memory_space<hbm>>
    %dma_start3A_59 = arith.constant 32 : i32
    %dma_start3A_60 = arith.constant 0 : i32
    %dma_start3A_61 = tpu.memref_slice %arg3[%add3A_51, %dma_start3A_59, %dma_start3A_60] : memref<512x33x4096xf32, #tpu.memory_space<hbm>> -> memref<1x1x4096xf32, #tpu.memory_space<hbm>>
    %dma_start3A_62 = tpu.memref_squeeze %dma_start3A_61 : memref<1x1x4096xf32, #tpu.memory_space<hbm>> -> memref<1x4096xf32, #tpu.memory_space<hbm>>
    %dma_start3A_63 = arith.constant 3 : i32
    %dma_start3A_64 = arith.constant 0 : i32
    %dma_start3A_65 = tpu.memref_slice %arg4[%dma_start3A_63, %dma_start3A_64] : memref<16x4096xf32, #tpu.memory_space<vmem>> -> memref<1x4096xf32, #tpu.memory_space<vmem>>
    tpu.enqueue_dma source(%dma_start3A_65 : memref<1x4096xf32, #tpu.memory_space<vmem>>) target(%dma_start3A_62 : memref<1x4096xf32, #tpu.memory_space<hbm>>) target_semaphore(%arg5 : memref<!tpu.dma_semaphore, #tpu.memory_space<semaphore_mem>>)
    %add3A_66 = arith.constant 4 : i32
    %add3A_67 = arith.addi %mul3A_2, %add3A_66 : i32
    %dma_start3A_68 = arith.constant 4 : i32
    %dma_start3A_69 = arith.constant 0 : i32
    %dma_start3A_70 = tpu.memref_slice %arg4[%dma_start3A_68, %dma_start3A_69] : memref<16x4096xf32, #tpu.memory_space<vmem>> -> memref<1x4096xf32, #tpu.memory_space<vmem>>
    %dma_start3A_71 = arith.constant 32 : i32
    %dma_start3A_72 = arith.constant 0 : i32
    %dma_start3A_73 = tpu.memref_slice %arg3[%add3A_67, %dma_start3A_71, %dma_start3A_72] : memref<512x33x4096xf32, #tpu.memory_space<hbm>> -> memref<1x1x4096xf32, #tpu.memory_space<hbm>>
    %dma_start3A_74 = tpu.memref_squeeze %dma_start3A_73 : memref<1x1x4096xf32, #tpu.memory_space<hbm>> -> memref<1x4096xf32, #tpu.memory_space<hbm>>
    %dma_start3A_75 = arith.constant 32 : i32
    %dma_start3A_76 = arith.constant 0 : i32
    %dma_start3A_77 = tpu.memref_slice %arg3[%add3A_67, %dma_start3A_75, %dma_start3A_76] : memref<512x33x4096xf32, #tpu.memory_space<hbm>> -> memref<1x1x4096xf32, #tpu.memory_space<hbm>>
    %dma_start3A_78 = tpu.memref_squeeze %dma_start3A_77 : memref<1x1x4096xf32, #tpu.memory_space<hbm>> -> memref<1x4096xf32, #tpu.memory_space<hbm>>
    %dma_start3A_79 = arith.constant 4 : i32
    %dma_start3A_80 = arith.constant 0 : i32
    %dma_start3A_81 = tpu.memref_slice %arg4[%dma_start3A_79, %dma_start3A_80] : memref<16x4096xf32, #tpu.memory_space<vmem>> -> memref<1x4096xf32, #tpu.memory_space<vmem>>
    tpu.enqueue_dma source(%dma_start3A_81 : memref<1x4096xf32, #tpu.memory_space<vmem>>) target(%dma_start3A_78 : memref<1x4096xf32, #tpu.memory_space<hbm>>) target_semaphore(%arg5 : memref<!tpu.dma_semaphore, #tpu.memory_space<semaphore_mem>>)
    %add3A_82 = arith.constant 5 : i32
    %add3A_83 = arith.addi %mul3A_2, %add3A_82 : i32
    %dma_start3A_84 = arith.constant 5 : i32
    %dma_start3A_85 = arith.constant 0 : i32
    %dma_start3A_86 = tpu.memref_slice %arg4[%dma_start3A_84, %dma_start3A_85] : memref<16x4096xf32, #tpu.memory_space<vmem>> -> memref<1x4096xf32, #tpu.memory_space<vmem>>
    %dma_start3A_87 = arith.constant 32 : i32
    %dma_start3A_88 = arith.constant 0 : i32
    %dma_start3A_89 = tpu.memref_slice %arg3[%add3A_83, %dma_start3A_87, %dma_start3A_88] : memref<512x33x4096xf32, #tpu.memory_space<hbm>> -> memref<1x1x4096xf32, #tpu.memory_space<hbm>>
    %dma_start3A_90 = tpu.memref_squeeze %dma_start3A_89 : memref<1x1x4096xf32, #tpu.memory_space<hbm>> -> memref<1x4096xf32, #tpu.memory_space<hbm>>
    %dma_start3A_91 = arith.constant 32 : i32
    %dma_start3A_92 = arith.constant 0 : i32
    %dma_start3A_93 = tpu.memref_slice %arg3[%add3A_83, %dma_start3A_91, %dma_start3A_92] : memref<512x33x4096xf32, #tpu.memory_space<hbm>> -> memref<1x1x4096xf32, #tpu.memory_space<hbm>>
    %dma_start3A_94 = tpu.memref_squeeze %dma_start3A_93 : memref<1x1x4096xf32, #tpu.memory_space<hbm>> -> memref<1x4096xf32, #tpu.memory_space<hbm>>
    %dma_start3A_95 = arith.constant 5 : i32
    %dma_start3A_96 = arith.constant 0 : i32
    %dma_start3A_97 = tpu.memref_slice %arg4[%dma_start3A_95, %dma_start3A_96] : memref<16x4096xf32, #tpu.memory_space<vmem>> -> memref<1x4096xf32, #tpu.memory_space<vmem>>
    tpu.enqueue_dma source(%dma_start3A_97 : memref<1x4096xf32, #tpu.memory_space<vmem>>) target(%dma_start3A_94 : memref<1x4096xf32, #tpu.memory_space<hbm>>) target_semaphore(%arg5 : memref<!tpu.dma_semaphore, #tpu.memory_space<semaphore_mem>>)
    %add3A_98 = arith.constant 6 : i32
    %add3A_99 = arith.addi %mul3A_2, %add3A_98 : i32
    %dma_start3A_100 = arith.constant 6 : i32
    %dma_start3A_101 = arith.constant 0 : i32
    %dma_start3A_102 = tpu.memref_slice %arg4[%dma_start3A_100, %dma_start3A_101] : memref<16x4096xf32, #tpu.memory_space<vmem>> -> memref<1x4096xf32, #tpu.memory_space<vmem>>
    %dma_start3A_103 = arith.constant 32 : i32
    %dma_start3A_104 = arith.constant 0 : i32
    %dma_start3A_105 = tpu.memref_slice %arg3[%add3A_99, %dma_start3A_103, %dma_start3A_104] : memref<512x33x4096xf32, #tpu.memory_space<hbm>> -> memref<1x1x4096xf32, #tpu.memory_space<hbm>>
    %dma_start3A_106 = tpu.memref_squeeze %dma_start3A_105 : memref<1x1x4096xf32, #tpu.memory_space<hbm>> -> memref<1x4096xf32, #tpu.memory_space<hbm>>
    %dma_start3A_107 = arith.constant 32 : i32
    %dma_start3A_108 = arith.constant 0 : i32
    %dma_start3A_109 = tpu.memref_slice %arg3[%add3A_99, %dma_start3A_107, %dma_start3A_108] : memref<512x33x4096xf32, #tpu.memory_space<hbm>> -> memref<1x1x4096xf32, #tpu.memory_space<hbm>>
    %dma_start3A_110 = tpu.memref_squeeze %dma_start3A_109 : memref<1x1x4096xf32, #tpu.memory_space<hbm>> -> memref<1x4096xf32, #tpu.memory_space<hbm>>
    %dma_start3A_111 = arith.constant 6 : i32
    %dma_start3A_112 = arith.constant 0 : i32
    %dma_start3A_113 = tpu.memref_slice %arg4[%dma_start3A_111, %dma_start3A_112] : memref<16x4096xf32, #tpu.memory_space<vmem>> -> memref<1x4096xf32, #tpu.memory_space<vmem>>
    tpu.enqueue_dma source(%dma_start3A_113 : memref<1x4096xf32, #tpu.memory_space<vmem>>) target(%dma_start3A_110 : memref<1x4096xf32, #tpu.memory_space<hbm>>) target_semaphore(%arg5 : memref<!tpu.dma_semaphore, #tpu.memory_space<semaphore_mem>>)
    %add3A_114 = arith.constant 7 : i32
    %add3A_115 = arith.addi %mul3A_2, %add3A_114 : i32
    %dma_start3A_116 = arith.constant 7 : i32
    %dma_start3A_117 = arith.constant 0 : i32
    %dma_start3A_118 = tpu.memref_slice %arg4[%dma_start3A_116, %dma_start3A_117] : memref<16x4096xf32, #tpu.memory_space<vmem>> -> memref<1x4096xf32, #tpu.memory_space<vmem>>
    %dma_start3A_119 = arith.constant 32 : i32
    %dma_start3A_120 = arith.constant 0 : i32
    %dma_start3A_121 = tpu.memref_slice %arg3[%add3A_115, %dma_start3A_119, %dma_start3A_120] : memref<512x33x4096xf32, #tpu.memory_space<hbm>> -> memref<1x1x4096xf32, #tpu.memory_space<hbm>>
    %dma_start3A_122 = tpu.memref_squeeze %dma_start3A_121 : memref<1x1x4096xf32, #tpu.memory_space<hbm>> -> memref<1x4096xf32, #tpu.memory_space<hbm>>
    %dma_start3A_123 = arith.constant 32 : i32
    %dma_start3A_124 = arith.constant 0 : i32
    %dma_start3A_125 = tpu.memref_slice %arg3[%add3A_115, %dma_start3A_123, %dma_start3A_124] : memref<512x33x4096xf32, #tpu.memory_space<hbm>> -> memref<1x1x4096xf32, #tpu.memory_space<hbm>>
    %dma_start3A_126 = tpu.memref_squeeze %dma_start3A_125 : memref<1x1x4096xf32, #tpu.memory_space<hbm>> -> memref<1x4096xf32, #tpu.memory_space<hbm>>
    %dma_start3A_127 = arith.constant 7 : i32
    %dma_start3A_128 = arith.constant 0 : i32
    %dma_start3A_129 = tpu.memref_slice %arg4[%dma_start3A_127, %dma_start3A_128] : memref<16x4096xf32, #tpu.memory_space<vmem>> -> memref<1x4096xf32, #tpu.memory_space<vmem>>
    tpu.enqueue_dma source(%dma_start3A_129 : memref<1x4096xf32, #tpu.memory_space<vmem>>) target(%dma_start3A_126 : memref<1x4096xf32, #tpu.memory_space<hbm>>) target_semaphore(%arg5 : memref<!tpu.dma_semaphore, #tpu.memory_space<semaphore_mem>>)
    %add3A_130 = arith.constant 8 : i32
    %add3A_131 = arith.addi %mul3A_2, %add3A_130 : i32
    %dma_start3A_132 = arith.constant 8 : i32
    %dma_start3A_133 = arith.constant 0 : i32
    %dma_start3A_134 = tpu.memref_slice %arg4[%dma_start3A_132, %dma_start3A_133] : memref<16x4096xf32, #tpu.memory_space<vmem>> -> memref<1x4096xf32, #tpu.memory_space<vmem>>
    %dma_start3A_135 = arith.constant 32 : i32
    %dma_start3A_136 = arith.constant 0 : i32
    %dma_start3A_137 = tpu.memref_slice %arg3[%add3A_131, %dma_start3A_135, %dma_start3A_136] : memref<512x33x4096xf32, #tpu.memory_space<hbm>> -> memref<1x1x4096xf32, #tpu.memory_space<hbm>>
    %dma_start3A_138 = tpu.memref_squeeze %dma_start3A_137 : memref<1x1x4096xf32, #tpu.memory_space<hbm>> -> memref<1x4096xf32, #tpu.memory_space<hbm>>
    %dma_start3A_139 = arith.constant 32 : i32
    %dma_start3A_140 = arith.constant 0 : i32
    %dma_start3A_141 = tpu.memref_slice %arg3[%add3A_131, %dma_start3A_139, %dma_start3A_140] : memref<512x33x4096xf32, #tpu.memory_space<hbm>> -> memref<1x1x4096xf32, #tpu.memory_space<hbm>>
    %dma_start3A_142 = tpu.memref_squeeze %dma_start3A_141 : memref<1x1x4096xf32, #tpu.memory_space<hbm>> -> memref<1x4096xf32, #tpu.memory_space<hbm>>
    %dma_start3A_143 = arith.constant 8 : i32
    %dma_start3A_144 = arith.constant 0 : i32
    %dma_start3A_145 = tpu.memref_slice %arg4[%dma_start3A_143, %dma_start3A_144] : memref<16x4096xf32, #tpu.memory_space<vmem>> -> memref<1x4096xf32, #tpu.memory_space<vmem>>
    tpu.enqueue_dma source(%dma_start3A_145 : memref<1x4096xf32, #tpu.memory_space<vmem>>) target(%dma_start3A_142 : memref<1x4096xf32, #tpu.memory_space<hbm>>) target_semaphore(%arg5 : memref<!tpu.dma_semaphore, #tpu.memory_space<semaphore_mem>>)
    %add3A_146 = arith.constant 9 : i32
    %add3A_147 = arith.addi %mul3A_2, %add3A_146 : i32
    %dma_start3A_148 = arith.constant 9 : i32
    %dma_start3A_149 = arith.constant 0 : i32
    %dma_start3A_150 = tpu.memref_slice %arg4[%dma_start3A_148, %dma_start3A_149] : memref<16x4096xf32, #tpu.memory_space<vmem>> -> memref<1x4096xf32, #tpu.memory_space<vmem>>
    %dma_start3A_151 = arith.constant 32 : i32
    %dma_start3A_152 = arith.constant 0 : i32
    %dma_start3A_153 = tpu.memref_slice %arg3[%add3A_147, %dma_start3A_151, %dma_start3A_152] : memref<512x33x4096xf32, #tpu.memory_space<hbm>> -> memref<1x1x4096xf32, #tpu.memory_space<hbm>>
    %dma_start3A_154 = tpu.memref_squeeze %dma_start3A_153 : memref<1x1x4096xf32, #tpu.memory_space<hbm>> -> memref<1x4096xf32, #tpu.memory_space<hbm>>
    %dma_start3A_155 = arith.constant 32 : i32
    %dma_start3A_156 = arith.constant 0 : i32
    %dma_start3A_157 = tpu.memref_slice %arg3[%add3A_147, %dma_start3A_155, %dma_start3A_156] : memref<512x33x4096xf32, #tpu.memory_space<hbm>> -> memref<1x1x4096xf32, #tpu.memory_space<hbm>>
    %dma_start3A_158 = tpu.memref_squeeze %dma_start3A_157 : memref<1x1x4096xf32, #tpu.memory_space<hbm>> -> memref<1x4096xf32, #tpu.memory_space<hbm>>
    %dma_start3A_159 = arith.constant 9 : i32
    %dma_start3A_160 = arith.constant 0 : i32
    %dma_start3A_161 = tpu.memref_slice %arg4[%dma_start3A_159, %dma_start3A_160] : memref<16x4096xf32, #tpu.memory_space<vmem>> -> memref<1x4096xf32, #tpu.memory_space<vmem>>
    tpu.enqueue_dma source(%dma_start3A_161 : memref<1x4096xf32, #tpu.memory_space<vmem>>) target(%dma_start3A_158 : memref<1x4096xf32, #tpu.memory_space<hbm>>) target_semaphore(%arg5 : memref<!tpu.dma_semaphore, #tpu.memory_space<semaphore_mem>>)
    %add3A_162 = arith.constant 10 : i32
    %add3A_163 = arith.addi %mul3A_2, %add3A_162 : i32
    %dma_start3A_164 = arith.constant 10 : i32
    %dma_start3A_165 = arith.constant 0 : i32
    %dma_start3A_166 = tpu.memref_slice %arg4[%dma_start3A_164, %dma_start3A_165] : memref<16x4096xf32, #tpu.memory_space<vmem>> -> memref<1x4096xf32, #tpu.memory_space<vmem>>
    %dma_start3A_167 = arith.constant 32 : i32
    %dma_start3A_168 = arith.constant 0 : i32
    %dma_start3A_169 = tpu.memref_slice %arg3[%add3A_163, %dma_start3A_167, %dma_start3A_168] : memref<512x33x4096xf32, #tpu.memory_space<hbm>> -> memref<1x1x4096xf32, #tpu.memory_space<hbm>>
    %dma_start3A_170 = tpu.memref_squeeze %dma_start3A_169 : memref<1x1x4096xf32, #tpu.memory_space<hbm>> -> memref<1x4096xf32, #tpu.memory_space<hbm>>
    %dma_start3A_171 = arith.constant 32 : i32
    %dma_start3A_172 = arith.constant 0 : i32
    %dma_start3A_173 = tpu.memref_slice %arg3[%add3A_163, %dma_start3A_171, %dma_start3A_172] : memref<512x33x4096xf32, #tpu.memory_space<hbm>> -> memref<1x1x4096xf32, #tpu.memory_space<hbm>>
    %dma_start3A_174 = tpu.memref_squeeze %dma_start3A_173 : memref<1x1x4096xf32, #tpu.memory_space<hbm>> -> memref<1x4096xf32, #tpu.memory_space<hbm>>
    %dma_start3A_175 = arith.constant 10 : i32
    %dma_start3A_176 = arith.constant 0 : i32
    %dma_start3A_177 = tpu.memref_slice %arg4[%dma_start3A_175, %dma_start3A_176] : memref<16x4096xf32, #tpu.memory_space<vmem>> -> memref<1x4096xf32, #tpu.memory_space<vmem>>
    tpu.enqueue_dma source(%dma_start3A_177 : memref<1x4096xf32, #tpu.memory_space<vmem>>) target(%dma_start3A_174 : memref<1x4096xf32, #tpu.memory_space<hbm>>) target_semaphore(%arg5 : memref<!tpu.dma_semaphore, #tpu.memory_space<semaphore_mem>>)
    %add3A_178 = arith.constant 11 : i32
    %add3A_179 = arith.addi %mul3A_2, %add3A_178 : i32
    %dma_start3A_180 = arith.constant 11 : i32
    %dma_start3A_181 = arith.constant 0 : i32
    %dma_start3A_182 = tpu.memref_slice %arg4[%dma_start3A_180, %dma_start3A_181] : memref<16x4096xf32, #tpu.memory_space<vmem>> -> memref<1x4096xf32, #tpu.memory_space<vmem>>
    %dma_start3A_183 = arith.constant 32 : i32
    %dma_start3A_184 = arith.constant 0 : i32
    %dma_start3A_185 = tpu.memref_slice %arg3[%add3A_179, %dma_start3A_183, %dma_start3A_184] : memref<512x33x4096xf32, #tpu.memory_space<hbm>> -> memref<1x1x4096xf32, #tpu.memory_space<hbm>>
    %dma_start3A_186 = tpu.memref_squeeze %dma_start3A_185 : memref<1x1x4096xf32, #tpu.memory_space<hbm>> -> memref<1x4096xf32, #tpu.memory_space<hbm>>
    %dma_start3A_187 = arith.constant 32 : i32
    %dma_start3A_188 = arith.constant 0 : i32
    %dma_start3A_189 = tpu.memref_slice %arg3[%add3A_179, %dma_start3A_187, %dma_start3A_188] : memref<512x33x4096xf32, #tpu.memory_space<hbm>> -> memref<1x1x4096xf32, #tpu.memory_space<hbm>>
    %dma_start3A_190 = tpu.memref_squeeze %dma_start3A_189 : memref<1x1x4096xf32, #tpu.memory_space<hbm>> -> memref<1x4096xf32, #tpu.memory_space<hbm>>
    %dma_start3A_191 = arith.constant 11 : i32
    %dma_start3A_192 = arith.constant 0 : i32
    %dma_start3A_193 = tpu.memref_slice %arg4[%dma_start3A_191, %dma_start3A_192] : memref<16x4096xf32, #tpu.memory_space<vmem>> -> memref<1x4096xf32, #tpu.memory_space<vmem>>
    tpu.enqueue_dma source(%dma_start3A_193 : memref<1x4096xf32, #tpu.memory_space<vmem>>) target(%dma_start3A_190 : memref<1x4096xf32, #tpu.memory_space<hbm>>) target_semaphore(%arg5 : memref<!tpu.dma_semaphore, #tpu.memory_space<semaphore_mem>>)
    %add3A_194 = arith.constant 12 : i32
    %add3A_195 = arith.addi %mul3A_2, %add3A_194 : i32
    %dma_start3A_196 = arith.constant 12 : i32
    %dma_start3A_197 = arith.constant 0 : i32
    %dma_start3A_198 = tpu.memref_slice %arg4[%dma_start3A_196, %dma_start3A_197] : memref<16x4096xf32, #tpu.memory_space<vmem>> -> memref<1x4096xf32, #tpu.memory_space<vmem>>
    %dma_start3A_199 = arith.constant 32 : i32
    %dma_start3A_200 = arith.constant 0 : i32
    %dma_start3A_201 = tpu.memref_slice %arg3[%add3A_195, %dma_start3A_199, %dma_start3A_200] : memref<512x33x4096xf32, #tpu.memory_space<hbm>> -> memref<1x1x4096xf32, #tpu.memory_space<hbm>>
    %dma_start3A_202 = tpu.memref_squeeze %dma_start3A_201 : memref<1x1x4096xf32, #tpu.memory_space<hbm>> -> memref<1x4096xf32, #tpu.memory_space<hbm>>
    %dma_start3A_203 = arith.constant 32 : i32
    %dma_start3A_204 = arith.constant 0 : i32
    %dma_start3A_205 = tpu.memref_slice %arg3[%add3A_195, %dma_start3A_203, %dma_start3A_204] : memref<512x33x4096xf32, #tpu.memory_space<hbm>> -> memref<1x1x4096xf32, #tpu.memory_space<hbm>>
    %dma_start3A_206 = tpu.memref_squeeze %dma_start3A_205 : memref<1x1x4096xf32, #tpu.memory_space<hbm>> -> memref<1x4096xf32, #tpu.memory_space<hbm>>
    %dma_start3A_207 = arith.constant 12 : i32
    %dma_start3A_208 = arith.constant 0 : i32
    %dma_start3A_209 = tpu.memref_slice %arg4[%dma_start3A_207, %dma_start3A_208] : memref<16x4096xf32, #tpu.memory_space<vmem>> -> memref<1x4096xf32, #tpu.memory_space<vmem>>
    tpu.enqueue_dma source(%dma_start3A_209 : memref<1x4096xf32, #tpu.memory_space<vmem>>) target(%dma_start3A_206 : memref<1x4096xf32, #tpu.memory_space<hbm>>) target_semaphore(%arg5 : memref<!tpu.dma_semaphore, #tpu.memory_space<semaphore_mem>>)
    %add3A_210 = arith.constant 13 : i32
    %add3A_211 = arith.addi %mul3A_2, %add3A_210 : i32
    %dma_start3A_212 = arith.constant 13 : i32
    %dma_start3A_213 = arith.constant 0 : i32
    %dma_start3A_214 = tpu.memref_slice %arg4[%dma_start3A_212, %dma_start3A_213] : memref<16x4096xf32, #tpu.memory_space<vmem>> -> memref<1x4096xf32, #tpu.memory_space<vmem>>
    %dma_start3A_215 = arith.constant 32 : i32
    %dma_start3A_216 = arith.constant 0 : i32
    %dma_start3A_217 = tpu.memref_slice %arg3[%add3A_211, %dma_start3A_215, %dma_start3A_216] : memref<512x33x4096xf32, #tpu.memory_space<hbm>> -> memref<1x1x4096xf32, #tpu.memory_space<hbm>>
    %dma_start3A_218 = tpu.memref_squeeze %dma_start3A_217 : memref<1x1x4096xf32, #tpu.memory_space<hbm>> -> memref<1x4096xf32, #tpu.memory_space<hbm>>
    %dma_start3A_219 = arith.constant 32 : i32
    %dma_start3A_220 = arith.constant 0 : i32
    %dma_start3A_221 = tpu.memref_slice %arg3[%add3A_211, %dma_start3A_219, %dma_start3A_220] : memref<512x33x4096xf32, #tpu.memory_space<hbm>> -> memref<1x1x4096xf32, #tpu.memory_space<hbm>>
    %dma_start3A_222 = tpu.memref_squeeze %dma_start3A_221 : memref<1x1x4096xf32, #tpu.memory_space<hbm>> -> memref<1x4096xf32, #tpu.memory_space<hbm>>
    %dma_start3A_223 = arith.constant 13 : i32
    %dma_start3A_224 = arith.constant 0 : i32
    %dma_start3A_225 = tpu.memref_slice %arg4[%dma_start3A_223, %dma_start3A_224] : memref<16x4096xf32, #tpu.memory_space<vmem>> -> memref<1x4096xf32, #tpu.memory_space<vmem>>
    tpu.enqueue_dma source(%dma_start3A_225 : memref<1x4096xf32, #tpu.memory_space<vmem>>) target(%dma_start3A_222 : memref<1x4096xf32, #tpu.memory_space<hbm>>) target_semaphore(%arg5 : memref<!tpu.dma_semaphore, #tpu.memory_space<semaphore_mem>>)
    %add3A_226 = arith.constant 14 : i32
    %add3A_227 = arith.addi %mul3A_2, %add3A_226 : i32
    %dma_start3A_228 = arith.constant 14 : i32
    %dma_start3A_229 = arith.constant 0 : i32
    %dma_start3A_230 = tpu.memref_slice %arg4[%dma_start3A_228, %dma_start3A_229] : memref<16x4096xf32, #tpu.memory_space<vmem>> -> memref<1x4096xf32, #tpu.memory_space<vmem>>
    %dma_start3A_231 = arith.constant 32 : i32
    %dma_start3A_232 = arith.constant 0 : i32
    %dma_start3A_233 = tpu.memref_slice %arg3[%add3A_227, %dma_start3A_231, %dma_start3A_232] : memref<512x33x4096xf32, #tpu.memory_space<hbm>> -> memref<1x1x4096xf32, #tpu.memory_space<hbm>>
    %dma_start3A_234 = tpu.memref_squeeze %dma_start3A_233 : memref<1x1x4096xf32, #tpu.memory_space<hbm>> -> memref<1x4096xf32, #tpu.memory_space<hbm>>
    %dma_start3A_235 = arith.constant 32 : i32
    %dma_start3A_236 = arith.constant 0 : i32
    %dma_start3A_237 = tpu.memref_slice %arg3[%add3A_227, %dma_start3A_235, %dma_start3A_236] : memref<512x33x4096xf32, #tpu.memory_space<hbm>> -> memref<1x1x4096xf32, #tpu.memory_space<hbm>>
    %dma_start3A_238 = tpu.memref_squeeze %dma_start3A_237 : memref<1x1x4096xf32, #tpu.memory_space<hbm>> -> memref<1x4096xf32, #tpu.memory_space<hbm>>
    %dma_start3A_239 = arith.constant 14 : i32
    %dma_start3A_240 = arith.constant 0 : i32
    %dma_start3A_241 = tpu.memref_slice %arg4[%dma_start3A_239, %dma_start3A_240] : memref<16x4096xf32, #tpu.memory_space<vmem>> -> memref<1x4096xf32, #tpu.memory_space<vmem>>
    tpu.enqueue_dma source(%dma_start3A_241 : memref<1x4096xf32, #tpu.memory_space<vmem>>) target(%dma_start3A_238 : memref<1x4096xf32, #tpu.memory_space<hbm>>) target_semaphore(%arg5 : memref<!tpu.dma_semaphore, #tpu.memory_space<semaphore_mem>>)
    %add3A_242 = arith.constant 15 : i32
    %add3A_243 = arith.addi %mul3A_2, %add3A_242 : i32
    %dma_start3A_244 = arith.constant 15 : i32
    %dma_start3A_245 = arith.constant 0 : i32
    %dma_start3A_246 = tpu.memref_slice %arg4[%dma_start3A_244, %dma_start3A_245] : memref<16x4096xf32, #tpu.memory_space<vmem>> -> memref<1x4096xf32, #tpu.memory_space<vmem>>
    %dma_start3A_247 = arith.constant 32 : i32
    %dma_start3A_248 = arith.constant 0 : i32
    %dma_start3A_249 = tpu.memref_slice %arg3[%add3A_243, %dma_start3A_247, %dma_start3A_248] : memref<512x33x4096xf32, #tpu.memory_space<hbm>> -> memref<1x1x4096xf32, #tpu.memory_space<hbm>>
    %dma_start3A_250 = tpu.memref_squeeze %dma_start3A_249 : memref<1x1x4096xf32, #tpu.memory_space<hbm>> -> memref<1x4096xf32, #tpu.memory_space<hbm>>
    %dma_start3A_251 = arith.constant 32 : i32
    %dma_start3A_252 = arith.constant 0 : i32
    %dma_start3A_253 = tpu.memref_slice %arg3[%add3A_243, %dma_start3A_251, %dma_start3A_252] : memref<512x33x4096xf32, #tpu.memory_space<hbm>> -> memref<1x1x4096xf32, #tpu.memory_space<hbm>>
    %dma_start3A_254 = tpu.memref_squeeze %dma_start3A_253 : memref<1x1x4096xf32, #tpu.memory_space<hbm>> -> memref<1x4096xf32, #tpu.memory_space<hbm>>
    %dma_start3A_255 = arith.constant 15 : i32
    %dma_start3A_256 = arith.constant 0 : i32
    %dma_start3A_257 = tpu.memref_slice %arg4[%dma_start3A_255, %dma_start3A_256] : memref<16x4096xf32, #tpu.memory_space<vmem>> -> memref<1x4096xf32, #tpu.memory_space<vmem>>
    tpu.enqueue_dma source(%dma_start3A_257 : memref<1x4096xf32, #tpu.memory_space<vmem>>) target(%dma_start3A_254 : memref<1x4096xf32, #tpu.memory_space<hbm>>) target_semaphore(%arg5 : memref<!tpu.dma_semaphore, #tpu.memory_space<semaphore_mem>>)
    %add3A_258 = arith.constant 0 : i32
    %add3A_259 = arith.addi %mul3A_2, %add3A_258 : i32
    %dma_wait3A = arith.constant 0 : i32
    %dma_wait3A_260 = arith.constant 0 : i32
    %dma_wait3A_261 = tpu.memref_slice %arg4[%dma_wait3A, %dma_wait3A_260] : memref<16x4096xf32, #tpu.memory_space<vmem>> -> memref<1x4096xf32, #tpu.memory_space<vmem>>
    %dma_wait3A_262 = arith.constant 32 : i32
    %dma_wait3A_263 = arith.constant 0 : i32
    %dma_wait3A_264 = tpu.memref_slice %arg3[%add3A_259, %dma_wait3A_262, %dma_wait3A_263] : memref<512x33x4096xf32, #tpu.memory_space<hbm>> -> memref<1x1x4096xf32, #tpu.memory_space<hbm>>
    %dma_wait3A_265 = tpu.memref_squeeze %dma_wait3A_264 : memref<1x1x4096xf32, #tpu.memory_space<hbm>> -> memref<1x4096xf32, #tpu.memory_space<hbm>>
    %dma_wait3A_266 = arith.constant 32 : i32
    %dma_wait3A_267 = arith.constant 0 : i32
    %dma_wait3A_268 = tpu.memref_slice %arg3[%add3A_259, %dma_wait3A_266, %dma_wait3A_267] : memref<512x33x4096xf32, #tpu.memory_space<hbm>> -> memref<1x1x4096xf32, #tpu.memory_space<hbm>>
    %dma_wait3A_269 = tpu.memref_squeeze %dma_wait3A_268 : memref<1x1x4096xf32, #tpu.memory_space<hbm>> -> memref<1x4096xf32, #tpu.memory_space<hbm>>
    %dma_wait3A_270 = arith.constant 0 : i32
    %dma_wait3A_271 = arith.constant 0 : i32
    %dma_wait3A_272 = tpu.memref_slice %arg4[%dma_wait3A_270, %dma_wait3A_271] : memref<16x4096xf32, #tpu.memory_space<vmem>> -> memref<1x4096xf32, #tpu.memory_space<vmem>>
    tpu.wait_dma2 semaphore(%arg5 : memref<!tpu.dma_semaphore, #tpu.memory_space<semaphore_mem>>) src(%dma_wait3A_272 : memref<1x4096xf32, #tpu.memory_space<vmem>>) dst(%dma_wait3A_269 : memref<1x4096xf32, #tpu.memory_space<hbm>>)
    %add3A_273 = arith.constant 1 : i32
    %add3A_274 = arith.addi %mul3A_2, %add3A_273 : i32
    %dma_wait3A_275 = arith.constant 1 : i32
    %dma_wait3A_276 = arith.constant 0 : i32
    %dma_wait3A_277 = tpu.memref_slice %arg4[%dma_wait3A_275, %dma_wait3A_276] : memref<16x4096xf32, #tpu.memory_space<vmem>> -> memref<1x4096xf32, #tpu.memory_space<vmem>>
    %dma_wait3A_278 = arith.constant 32 : i32
    %dma_wait3A_279 = arith.constant 0 : i32
    %dma_wait3A_280 = tpu.memref_slice %arg3[%add3A_274, %dma_wait3A_278, %dma_wait3A_279] : memref<512x33x4096xf32, #tpu.memory_space<hbm>> -> memref<1x1x4096xf32, #tpu.memory_space<hbm>>
    %dma_wait3A_281 = tpu.memref_squeeze %dma_wait3A_280 : memref<1x1x4096xf32, #tpu.memory_space<hbm>> -> memref<1x4096xf32, #tpu.memory_space<hbm>>
    %dma_wait3A_282 = arith.constant 32 : i32
    %dma_wait3A_283 = arith.constant 0 : i32
    %dma_wait3A_284 = tpu.memref_slice %arg3[%add3A_274, %dma_wait3A_282, %dma_wait3A_283] : memref<512x33x4096xf32, #tpu.memory_space<hbm>> -> memref<1x1x4096xf32, #tpu.memory_space<hbm>>
    %dma_wait3A_285 = tpu.memref_squeeze %dma_wait3A_284 : memref<1x1x4096xf32, #tpu.memory_space<hbm>> -> memref<1x4096xf32, #tpu.memory_space<hbm>>
    %dma_wait3A_286 = arith.constant 1 : i32
    %dma_wait3A_287 = arith.constant 0 : i32
    %dma_wait3A_288 = tpu.memref_slice %arg4[%dma_wait3A_286, %dma_wait3A_287] : memref<16x4096xf32, #tpu.memory_space<vmem>> -> memref<1x4096xf32, #tpu.memory_space<vmem>>
    tpu.wait_dma2 semaphore(%arg5 : memref<!tpu.dma_semaphore, #tpu.memory_space<semaphore_mem>>) src(%dma_wait3A_288 : memref<1x4096xf32, #tpu.memory_space<vmem>>) dst(%dma_wait3A_285 : memref<1x4096xf32, #tpu.memory_space<hbm>>)
    %add3A_289 = arith.constant 2 : i32
    %add3A_290 = arith.addi %mul3A_2, %add3A_289 : i32
    %dma_wait3A_291 = arith.constant 2 : i32
    %dma_wait3A_292 = arith.constant 0 : i32
    %dma_wait3A_293 = tpu.memref_slice %arg4[%dma_wait3A_291, %dma_wait3A_292] : memref<16x4096xf32, #tpu.memory_space<vmem>> -> memref<1x4096xf32, #tpu.memory_space<vmem>>
    %dma_wait3A_294 = arith.constant 32 : i32
    %dma_wait3A_295 = arith.constant 0 : i32
    %dma_wait3A_296 = tpu.memref_slice %arg3[%add3A_290, %dma_wait3A_294, %dma_wait3A_295] : memref<512x33x4096xf32, #tpu.memory_space<hbm>> -> memref<1x1x4096xf32, #tpu.memory_space<hbm>>
    %dma_wait3A_297 = tpu.memref_squeeze %dma_wait3A_296 : memref<1x1x4096xf32, #tpu.memory_space<hbm>> -> memref<1x4096xf32, #tpu.memory_space<hbm>>
    %dma_wait3A_298 = arith.constant 32 : i32
    %dma_wait3A_299 = arith.constant 0 : i32
    %dma_wait3A_300 = tpu.memref_slice %arg3[%add3A_290, %dma_wait3A_298, %dma_wait3A_299] : memref<512x33x4096xf32, #tpu.memory_space<hbm>> -> memref<1x1x4096xf32, #tpu.memory_space<hbm>>
    %dma_wait3A_301 = tpu.memref_squeeze %dma_wait3A_300 : memref<1x1x4096xf32, #tpu.memory_space<hbm>> -> memref<1x4096xf32, #tpu.memory_space<hbm>>
    %dma_wait3A_302 = arith.constant 2 : i32
    %dma_wait3A_303 = arith.constant 0 : i32
    %dma_wait3A_304 = tpu.memref_slice %arg4[%dma_wait3A_302, %dma_wait3A_303] : memref<16x4096xf32, #tpu.memory_space<vmem>> -> memref<1x4096xf32, #tpu.memory_space<vmem>>
    tpu.wait_dma2 semaphore(%arg5 : memref<!tpu.dma_semaphore, #tpu.memory_space<semaphore_mem>>) src(%dma_wait3A_304 : memref<1x4096xf32, #tpu.memory_space<vmem>>) dst(%dma_wait3A_301 : memref<1x4096xf32, #tpu.memory_space<hbm>>)
    %add3A_305 = arith.constant 3 : i32
    %add3A_306 = arith.addi %mul3A_2, %add3A_305 : i32
    %dma_wait3A_307 = arith.constant 3 : i32
    %dma_wait3A_308 = arith.constant 0 : i32
    %dma_wait3A_309 = tpu.memref_slice %arg4[%dma_wait3A_307, %dma_wait3A_308] : memref<16x4096xf32, #tpu.memory_space<vmem>> -> memref<1x4096xf32, #tpu.memory_space<vmem>>
    %dma_wait3A_310 = arith.constant 32 : i32
    %dma_wait3A_311 = arith.constant 0 : i32
    %dma_wait3A_312 = tpu.memref_slice %arg3[%add3A_306, %dma_wait3A_310, %dma_wait3A_311] : memref<512x33x4096xf32, #tpu.memory_space<hbm>> -> memref<1x1x4096xf32, #tpu.memory_space<hbm>>
    %dma_wait3A_313 = tpu.memref_squeeze %dma_wait3A_312 : memref<1x1x4096xf32, #tpu.memory_space<hbm>> -> memref<1x4096xf32, #tpu.memory_space<hbm>>
    %dma_wait3A_314 = arith.constant 32 : i32
    %dma_wait3A_315 = arith.constant 0 : i32
    %dma_wait3A_316 = tpu.memref_slice %arg3[%add3A_306, %dma_wait3A_314, %dma_wait3A_315] : memref<512x33x4096xf32, #tpu.memory_space<hbm>> -> memref<1x1x4096xf32, #tpu.memory_space<hbm>>
    %dma_wait3A_317 = tpu.memref_squeeze %dma_wait3A_316 : memref<1x1x4096xf32, #tpu.memory_space<hbm>> -> memref<1x4096xf32, #tpu.memory_space<hbm>>
    %dma_wait3A_318 = arith.constant 3 : i32
    %dma_wait3A_319 = arith.constant 0 : i32
    %dma_wait3A_320 = tpu.memref_slice %arg4[%dma_wait3A_318, %dma_wait3A_319] : memref<16x4096xf32, #tpu.memory_space<vmem>> -> memref<1x4096xf32, #tpu.memory_space<vmem>>
    tpu.wait_dma2 semaphore(%arg5 : memref<!tpu.dma_semaphore, #tpu.memory_space<semaphore_mem>>) src(%dma_wait3A_320 : memref<1x4096xf32, #tpu.memory_space<vmem>>) dst(%dma_wait3A_317 : memref<1x4096xf32, #tpu.memory_space<hbm>>)
    %add3A_321 = arith.constant 4 : i32
    %add3A_322 = arith.addi %mul3A_2, %add3A_321 : i32
    %dma_wait3A_323 = arith.constant 4 : i32
    %dma_wait3A_324 = arith.constant 0 : i32
    %dma_wait3A_325 = tpu.memref_slice %arg4[%dma_wait3A_323, %dma_wait3A_324] : memref<16x4096xf32, #tpu.memory_space<vmem>> -> memref<1x4096xf32, #tpu.memory_space<vmem>>
    %dma_wait3A_326 = arith.constant 32 : i32
    %dma_wait3A_327 = arith.constant 0 : i32
    %dma_wait3A_328 = tpu.memref_slice %arg3[%add3A_322, %dma_wait3A_326, %dma_wait3A_327] : memref<512x33x4096xf32, #tpu.memory_space<hbm>> -> memref<1x1x4096xf32, #tpu.memory_space<hbm>>
    %dma_wait3A_329 = tpu.memref_squeeze %dma_wait3A_328 : memref<1x1x4096xf32, #tpu.memory_space<hbm>> -> memref<1x4096xf32, #tpu.memory_space<hbm>>
    %dma_wait3A_330 = arith.constant 32 : i32
    %dma_wait3A_331 = arith.constant 0 : i32
    %dma_wait3A_332 = tpu.memref_slice %arg3[%add3A_322, %dma_wait3A_330, %dma_wait3A_331] : memref<512x33x4096xf32, #tpu.memory_space<hbm>> -> memref<1x1x4096xf32, #tpu.memory_space<hbm>>
    %dma_wait3A_333 = tpu.memref_squeeze %dma_wait3A_332 : memref<1x1x4096xf32, #tpu.memory_space<hbm>> -> memref<1x4096xf32, #tpu.memory_space<hbm>>
    %dma_wait3A_334 = arith.constant 4 : i32
    %dma_wait3A_335 = arith.constant 0 : i32
    %dma_wait3A_336 = tpu.memref_slice %arg4[%dma_wait3A_334, %dma_wait3A_335] : memref<16x4096xf32, #tpu.memory_space<vmem>> -> memref<1x4096xf32, #tpu.memory_space<vmem>>
    tpu.wait_dma2 semaphore(%arg5 : memref<!tpu.dma_semaphore, #tpu.memory_space<semaphore_mem>>) src(%dma_wait3A_336 : memref<1x4096xf32, #tpu.memory_space<vmem>>) dst(%dma_wait3A_333 : memref<1x4096xf32, #tpu.memory_space<hbm>>)
    %add3A_337 = arith.constant 5 : i32
    %add3A_338 = arith.addi %mul3A_2, %add3A_337 : i32
    %dma_wait3A_339 = arith.constant 5 : i32
    %dma_wait3A_340 = arith.constant 0 : i32
    %dma_wait3A_341 = tpu.memref_slice %arg4[%dma_wait3A_339, %dma_wait3A_340] : memref<16x4096xf32, #tpu.memory_space<vmem>> -> memref<1x4096xf32, #tpu.memory_space<vmem>>
    %dma_wait3A_342 = arith.constant 32 : i32
    %dma_wait3A_343 = arith.constant 0 : i32
    %dma_wait3A_344 = tpu.memref_slice %arg3[%add3A_338, %dma_wait3A_342, %dma_wait3A_343] : memref<512x33x4096xf32, #tpu.memory_space<hbm>> -> memref<1x1x4096xf32, #tpu.memory_space<hbm>>
    %dma_wait3A_345 = tpu.memref_squeeze %dma_wait3A_344 : memref<1x1x4096xf32, #tpu.memory_space<hbm>> -> memref<1x4096xf32, #tpu.memory_space<hbm>>
    %dma_wait3A_346 = arith.constant 32 : i32
    %dma_wait3A_347 = arith.constant 0 : i32
    %dma_wait3A_348 = tpu.memref_slice %arg3[%add3A_338, %dma_wait3A_346, %dma_wait3A_347] : memref<512x33x4096xf32, #tpu.memory_space<hbm>> -> memref<1x1x4096xf32, #tpu.memory_space<hbm>>
    %dma_wait3A_349 = tpu.memref_squeeze %dma_wait3A_348 : memref<1x1x4096xf32, #tpu.memory_space<hbm>> -> memref<1x4096xf32, #tpu.memory_space<hbm>>
    %dma_wait3A_350 = arith.constant 5 : i32
    %dma_wait3A_351 = arith.constant 0 : i32
    %dma_wait3A_352 = tpu.memref_slice %arg4[%dma_wait3A_350, %dma_wait3A_351] : memref<16x4096xf32, #tpu.memory_space<vmem>> -> memref<1x4096xf32, #tpu.memory_space<vmem>>
    tpu.wait_dma2 semaphore(%arg5 : memref<!tpu.dma_semaphore, #tpu.memory_space<semaphore_mem>>) src(%dma_wait3A_352 : memref<1x4096xf32, #tpu.memory_space<vmem>>) dst(%dma_wait3A_349 : memref<1x4096xf32, #tpu.memory_space<hbm>>)
    %add3A_353 = arith.constant 6 : i32
    %add3A_354 = arith.addi %mul3A_2, %add3A_353 : i32
    %dma_wait3A_355 = arith.constant 6 : i32
    %dma_wait3A_356 = arith.constant 0 : i32
    %dma_wait3A_357 = tpu.memref_slice %arg4[%dma_wait3A_355, %dma_wait3A_356] : memref<16x4096xf32, #tpu.memory_space<vmem>> -> memref<1x4096xf32, #tpu.memory_space<vmem>>
    %dma_wait3A_358 = arith.constant 32 : i32
    %dma_wait3A_359 = arith.constant 0 : i32
    %dma_wait3A_360 = tpu.memref_slice %arg3[%add3A_354, %dma_wait3A_358, %dma_wait3A_359] : memref<512x33x4096xf32, #tpu.memory_space<hbm>> -> memref<1x1x4096xf32, #tpu.memory_space<hbm>>
    %dma_wait3A_361 = tpu.memref_squeeze %dma_wait3A_360 : memref<1x1x4096xf32, #tpu.memory_space<hbm>> -> memref<1x4096xf32, #tpu.memory_space<hbm>>
    %dma_wait3A_362 = arith.constant 32 : i32
    %dma_wait3A_363 = arith.constant 0 : i32
    %dma_wait3A_364 = tpu.memref_slice %arg3[%add3A_354, %dma_wait3A_362, %dma_wait3A_363] : memref<512x33x4096xf32, #tpu.memory_space<hbm>> -> memref<1x1x4096xf32, #tpu.memory_space<hbm>>
    %dma_wait3A_365 = tpu.memref_squeeze %dma_wait3A_364 : memref<1x1x4096xf32, #tpu.memory_space<hbm>> -> memref<1x4096xf32, #tpu.memory_space<hbm>>
    %dma_wait3A_366 = arith.constant 6 : i32
    %dma_wait3A_367 = arith.constant 0 : i32
    %dma_wait3A_368 = tpu.memref_slice %arg4[%dma_wait3A_366, %dma_wait3A_367] : memref<16x4096xf32, #tpu.memory_space<vmem>> -> memref<1x4096xf32, #tpu.memory_space<vmem>>
    tpu.wait_dma2 semaphore(%arg5 : memref<!tpu.dma_semaphore, #tpu.memory_space<semaphore_mem>>) src(%dma_wait3A_368 : memref<1x4096xf32, #tpu.memory_space<vmem>>) dst(%dma_wait3A_365 : memref<1x4096xf32, #tpu.memory_space<hbm>>)
    %add3A_369 = arith.constant 7 : i32
    %add3A_370 = arith.addi %mul3A_2, %add3A_369 : i32
    %dma_wait3A_371 = arith.constant 7 : i32
    %dma_wait3A_372 = arith.constant 0 : i32
    %dma_wait3A_373 = tpu.memref_slice %arg4[%dma_wait3A_371, %dma_wait3A_372] : memref<16x4096xf32, #tpu.memory_space<vmem>> -> memref<1x4096xf32, #tpu.memory_space<vmem>>
    %dma_wait3A_374 = arith.constant 32 : i32
    %dma_wait3A_375 = arith.constant 0 : i32
    %dma_wait3A_376 = tpu.memref_slice %arg3[%add3A_370, %dma_wait3A_374, %dma_wait3A_375] : memref<512x33x4096xf32, #tpu.memory_space<hbm>> -> memref<1x1x4096xf32, #tpu.memory_space<hbm>>
    %dma_wait3A_377 = tpu.memref_squeeze %dma_wait3A_376 : memref<1x1x4096xf32, #tpu.memory_space<hbm>> -> memref<1x4096xf32, #tpu.memory_space<hbm>>
    %dma_wait3A_378 = arith.constant 32 : i32
    %dma_wait3A_379 = arith.constant 0 : i32
    %dma_wait3A_380 = tpu.memref_slice %arg3[%add3A_370, %dma_wait3A_378, %dma_wait3A_379] : memref<512x33x4096xf32, #tpu.memory_space<hbm>> -> memref<1x1x4096xf32, #tpu.memory_space<hbm>>
    %dma_wait3A_381 = tpu.memref_squeeze %dma_wait3A_380 : memref<1x1x4096xf32, #tpu.memory_space<hbm>> -> memref<1x4096xf32, #tpu.memory_space<hbm>>
    %dma_wait3A_382 = arith.constant 7 : i32
    %dma_wait3A_383 = arith.constant 0 : i32
    %dma_wait3A_384 = tpu.memref_slice %arg4[%dma_wait3A_382, %dma_wait3A_383] : memref<16x4096xf32, #tpu.memory_space<vmem>> -> memref<1x4096xf32, #tpu.memory_space<vmem>>
    tpu.wait_dma2 semaphore(%arg5 : memref<!tpu.dma_semaphore, #tpu.memory_space<semaphore_mem>>) src(%dma_wait3A_384 : memref<1x4096xf32, #tpu.memory_space<vmem>>) dst(%dma_wait3A_381 : memref<1x4096xf32, #tpu.memory_space<hbm>>)
    %add3A_385 = arith.constant 8 : i32
    %add3A_386 = arith.addi %mul3A_2, %add3A_385 : i32
    %dma_wait3A_387 = arith.constant 8 : i32
    %dma_wait3A_388 = arith.constant 0 : i32
    %dma_wait3A_389 = tpu.memref_slice %arg4[%dma_wait3A_387, %dma_wait3A_388] : memref<16x4096xf32, #tpu.memory_space<vmem>> -> memref<1x4096xf32, #tpu.memory_space<vmem>>
    %dma_wait3A_390 = arith.constant 32 : i32
    %dma_wait3A_391 = arith.constant 0 : i32
    %dma_wait3A_392 = tpu.memref_slice %arg3[%add3A_386, %dma_wait3A_390, %dma_wait3A_391] : memref<512x33x4096xf32, #tpu.memory_space<hbm>> -> memref<1x1x4096xf32, #tpu.memory_space<hbm>>
    %dma_wait3A_393 = tpu.memref_squeeze %dma_wait3A_392 : memref<1x1x4096xf32, #tpu.memory_space<hbm>> -> memref<1x4096xf32, #tpu.memory_space<hbm>>
    %dma_wait3A_394 = arith.constant 32 : i32
    %dma_wait3A_395 = arith.constant 0 : i32
    %dma_wait3A_396 = tpu.memref_slice %arg3[%add3A_386, %dma_wait3A_394, %dma_wait3A_395] : memref<512x33x4096xf32, #tpu.memory_space<hbm>> -> memref<1x1x4096xf32, #tpu.memory_space<hbm>>
    %dma_wait3A_397 = tpu.memref_squeeze %dma_wait3A_396 : memref<1x1x4096xf32, #tpu.memory_space<hbm>> -> memref<1x4096xf32, #tpu.memory_space<hbm>>
    %dma_wait3A_398 = arith.constant 8 : i32
    %dma_wait3A_399 = arith.constant 0 : i32
    %dma_wait3A_400 = tpu.memref_slice %arg4[%dma_wait3A_398, %dma_wait3A_399] : memref<16x4096xf32, #tpu.memory_space<vmem>> -> memref<1x4096xf32, #tpu.memory_space<vmem>>
    tpu.wait_dma2 semaphore(%arg5 : memref<!tpu.dma_semaphore, #tpu.memory_space<semaphore_mem>>) src(%dma_wait3A_400 : memref<1x4096xf32, #tpu.memory_space<vmem>>) dst(%dma_wait3A_397 : memref<1x4096xf32, #tpu.memory_space<hbm>>)
    %add3A_401 = arith.constant 9 : i32
    %add3A_402 = arith.addi %mul3A_2, %add3A_401 : i32
    %dma_wait3A_403 = arith.constant 9 : i32
    %dma_wait3A_404 = arith.constant 0 : i32
    %dma_wait3A_405 = tpu.memref_slice %arg4[%dma_wait3A_403, %dma_wait3A_404] : memref<16x4096xf32, #tpu.memory_space<vmem>> -> memref<1x4096xf32, #tpu.memory_space<vmem>>
    %dma_wait3A_406 = arith.constant 32 : i32
    %dma_wait3A_407 = arith.constant 0 : i32
    %dma_wait3A_408 = tpu.memref_slice %arg3[%add3A_402, %dma_wait3A_406, %dma_wait3A_407] : memref<512x33x4096xf32, #tpu.memory_space<hbm>> -> memref<1x1x4096xf32, #tpu.memory_space<hbm>>
    %dma_wait3A_409 = tpu.memref_squeeze %dma_wait3A_408 : memref<1x1x4096xf32, #tpu.memory_space<hbm>> -> memref<1x4096xf32, #tpu.memory_space<hbm>>
    %dma_wait3A_410 = arith.constant 32 : i32
    %dma_wait3A_411 = arith.constant 0 : i32
    %dma_wait3A_412 = tpu.memref_slice %arg3[%add3A_402, %dma_wait3A_410, %dma_wait3A_411] : memref<512x33x4096xf32, #tpu.memory_space<hbm>> -> memref<1x1x4096xf32, #tpu.memory_space<hbm>>
    %dma_wait3A_413 = tpu.memref_squeeze %dma_wait3A_412 : memref<1x1x4096xf32, #tpu.memory_space<hbm>> -> memref<1x4096xf32, #tpu.memory_space<hbm>>
    %dma_wait3A_414 = arith.constant 9 : i32
    %dma_wait3A_415 = arith.constant 0 : i32
    %dma_wait3A_416 = tpu.memref_slice %arg4[%dma_wait3A_414, %dma_wait3A_415] : memref<16x4096xf32, #tpu.memory_space<vmem>> -> memref<1x4096xf32, #tpu.memory_space<vmem>>
    tpu.wait_dma2 semaphore(%arg5 : memref<!tpu.dma_semaphore, #tpu.memory_space<semaphore_mem>>) src(%dma_wait3A_416 : memref<1x4096xf32, #tpu.memory_space<vmem>>) dst(%dma_wait3A_413 : memref<1x4096xf32, #tpu.memory_space<hbm>>)
    %add3A_417 = arith.constant 10 : i32
    %add3A_418 = arith.addi %mul3A_2, %add3A_417 : i32
    %dma_wait3A_419 = arith.constant 10 : i32
    %dma_wait3A_420 = arith.constant 0 : i32
    %dma_wait3A_421 = tpu.memref_slice %arg4[%dma_wait3A_419, %dma_wait3A_420] : memref<16x4096xf32, #tpu.memory_space<vmem>> -> memref<1x4096xf32, #tpu.memory_space<vmem>>
    %dma_wait3A_422 = arith.constant 32 : i32
    %dma_wait3A_423 = arith.constant 0 : i32
    %dma_wait3A_424 = tpu.memref_slice %arg3[%add3A_418, %dma_wait3A_422, %dma_wait3A_423] : memref<512x33x4096xf32, #tpu.memory_space<hbm>> -> memref<1x1x4096xf32, #tpu.memory_space<hbm>>
    %dma_wait3A_425 = tpu.memref_squeeze %dma_wait3A_424 : memref<1x1x4096xf32, #tpu.memory_space<hbm>> -> memref<1x4096xf32, #tpu.memory_space<hbm>>
    %dma_wait3A_426 = arith.constant 32 : i32
    %dma_wait3A_427 = arith.constant 0 : i32
    %dma_wait3A_428 = tpu.memref_slice %arg3[%add3A_418, %dma_wait3A_426, %dma_wait3A_427] : memref<512x33x4096xf32, #tpu.memory_space<hbm>> -> memref<1x1x4096xf32, #tpu.memory_space<hbm>>
    %dma_wait3A_429 = tpu.memref_squeeze %dma_wait3A_428 : memref<1x1x4096xf32, #tpu.memory_space<hbm>> -> memref<1x4096xf32, #tpu.memory_space<hbm>>
    %dma_wait3A_430 = arith.constant 10 : i32
    %dma_wait3A_431 = arith.constant 0 : i32
    %dma_wait3A_432 = tpu.memref_slice %arg4[%dma_wait3A_430, %dma_wait3A_431] : memref<16x4096xf32, #tpu.memory_space<vmem>> -> memref<1x4096xf32, #tpu.memory_space<vmem>>
    tpu.wait_dma2 semaphore(%arg5 : memref<!tpu.dma_semaphore, #tpu.memory_space<semaphore_mem>>) src(%dma_wait3A_432 : memref<1x4096xf32, #tpu.memory_space<vmem>>) dst(%dma_wait3A_429 : memref<1x4096xf32, #tpu.memory_space<hbm>>)
    %add3A_433 = arith.constant 11 : i32
    %add3A_434 = arith.addi %mul3A_2, %add3A_433 : i32
    %dma_wait3A_435 = arith.constant 11 : i32
    %dma_wait3A_436 = arith.constant 0 : i32
    %dma_wait3A_437 = tpu.memref_slice %arg4[%dma_wait3A_435, %dma_wait3A_436] : memref<16x4096xf32, #tpu.memory_space<vmem>> -> memref<1x4096xf32, #tpu.memory_space<vmem>>
    %dma_wait3A_438 = arith.constant 32 : i32
    %dma_wait3A_439 = arith.constant 0 : i32
    %dma_wait3A_440 = tpu.memref_slice %arg3[%add3A_434, %dma_wait3A_438, %dma_wait3A_439] : memref<512x33x4096xf32, #tpu.memory_space<hbm>> -> memref<1x1x4096xf32, #tpu.memory_space<hbm>>
    %dma_wait3A_441 = tpu.memref_squeeze %dma_wait3A_440 : memref<1x1x4096xf32, #tpu.memory_space<hbm>> -> memref<1x4096xf32, #tpu.memory_space<hbm>>
    %dma_wait3A_442 = arith.constant 32 : i32
    %dma_wait3A_443 = arith.constant 0 : i32
    %dma_wait3A_444 = tpu.memref_slice %arg3[%add3A_434, %dma_wait3A_442, %dma_wait3A_443] : memref<512x33x4096xf32, #tpu.memory_space<hbm>> -> memref<1x1x4096xf32, #tpu.memory_space<hbm>>
    %dma_wait3A_445 = tpu.memref_squeeze %dma_wait3A_444 : memref<1x1x4096xf32, #tpu.memory_space<hbm>> -> memref<1x4096xf32, #tpu.memory_space<hbm>>
    %dma_wait3A_446 = arith.constant 11 : i32
    %dma_wait3A_447 = arith.constant 0 : i32
    %dma_wait3A_448 = tpu.memref_slice %arg4[%dma_wait3A_446, %dma_wait3A_447] : memref<16x4096xf32, #tpu.memory_space<vmem>> -> memref<1x4096xf32, #tpu.memory_space<vmem>>
    tpu.wait_dma2 semaphore(%arg5 : memref<!tpu.dma_semaphore, #tpu.memory_space<semaphore_mem>>) src(%dma_wait3A_448 : memref<1x4096xf32, #tpu.memory_space<vmem>>) dst(%dma_wait3A_445 : memref<1x4096xf32, #tpu.memory_space<hbm>>)
    %add3A_449 = arith.constant 12 : i32
    %add3A_450 = arith.addi %mul3A_2, %add3A_449 : i32
    %dma_wait3A_451 = arith.constant 12 : i32
    %dma_wait3A_452 = arith.constant 0 : i32
    %dma_wait3A_453 = tpu.memref_slice %arg4[%dma_wait3A_451, %dma_wait3A_452] : memref<16x4096xf32, #tpu.memory_space<vmem>> -> memref<1x4096xf32, #tpu.memory_space<vmem>>
    %dma_wait3A_454 = arith.constant 32 : i32
    %dma_wait3A_455 = arith.constant 0 : i32
    %dma_wait3A_456 = tpu.memref_slice %arg3[%add3A_450, %dma_wait3A_454, %dma_wait3A_455] : memref<512x33x4096xf32, #tpu.memory_space<hbm>> -> memref<1x1x4096xf32, #tpu.memory_space<hbm>>
    %dma_wait3A_457 = tpu.memref_squeeze %dma_wait3A_456 : memref<1x1x4096xf32, #tpu.memory_space<hbm>> -> memref<1x4096xf32, #tpu.memory_space<hbm>>
    %dma_wait3A_458 = arith.constant 32 : i32
    %dma_wait3A_459 = arith.constant 0 : i32
    %dma_wait3A_460 = tpu.memref_slice %arg3[%add3A_450, %dma_wait3A_458, %dma_wait3A_459] : memref<512x33x4096xf32, #tpu.memory_space<hbm>> -> memref<1x1x4096xf32, #tpu.memory_space<hbm>>
    %dma_wait3A_461 = tpu.memref_squeeze %dma_wait3A_460 : memref<1x1x4096xf32, #tpu.memory_space<hbm>> -> memref<1x4096xf32, #tpu.memory_space<hbm>>
    %dma_wait3A_462 = arith.constant 12 : i32
    %dma_wait3A_463 = arith.constant 0 : i32
    %dma_wait3A_464 = tpu.memref_slice %arg4[%dma_wait3A_462, %dma_wait3A_463] : memref<16x4096xf32, #tpu.memory_space<vmem>> -> memref<1x4096xf32, #tpu.memory_space<vmem>>
    tpu.wait_dma2 semaphore(%arg5 : memref<!tpu.dma_semaphore, #tpu.memory_space<semaphore_mem>>) src(%dma_wait3A_464 : memref<1x4096xf32, #tpu.memory_space<vmem>>) dst(%dma_wait3A_461 : memref<1x4096xf32, #tpu.memory_space<hbm>>)
    %add3A_465 = arith.constant 13 : i32
    %add3A_466 = arith.addi %mul3A_2, %add3A_465 : i32
    %dma_wait3A_467 = arith.constant 13 : i32
    %dma_wait3A_468 = arith.constant 0 : i32
    %dma_wait3A_469 = tpu.memref_slice %arg4[%dma_wait3A_467, %dma_wait3A_468] : memref<16x4096xf32, #tpu.memory_space<vmem>> -> memref<1x4096xf32, #tpu.memory_space<vmem>>
    %dma_wait3A_470 = arith.constant 32 : i32
    %dma_wait3A_471 = arith.constant 0 : i32
    %dma_wait3A_472 = tpu.memref_slice %arg3[%add3A_466, %dma_wait3A_470, %dma_wait3A_471] : memref<512x33x4096xf32, #tpu.memory_space<hbm>> -> memref<1x1x4096xf32, #tpu.memory_space<hbm>>
    %dma_wait3A_473 = tpu.memref_squeeze %dma_wait3A_472 : memref<1x1x4096xf32, #tpu.memory_space<hbm>> -> memref<1x4096xf32, #tpu.memory_space<hbm>>
    %dma_wait3A_474 = arith.constant 32 : i32
    %dma_wait3A_475 = arith.constant 0 : i32
    %dma_wait3A_476 = tpu.memref_slice %arg3[%add3A_466, %dma_wait3A_474, %dma_wait3A_475] : memref<512x33x4096xf32, #tpu.memory_space<hbm>> -> memref<1x1x4096xf32, #tpu.memory_space<hbm>>
    %dma_wait3A_477 = tpu.memref_squeeze %dma_wait3A_476 : memref<1x1x4096xf32, #tpu.memory_space<hbm>> -> memref<1x4096xf32, #tpu.memory_space<hbm>>
    %dma_wait3A_478 = arith.constant 13 : i32
    %dma_wait3A_479 = arith.constant 0 : i32
    %dma_wait3A_480 = tpu.memref_slice %arg4[%dma_wait3A_478, %dma_wait3A_479] : memref<16x4096xf32, #tpu.memory_space<vmem>> -> memref<1x4096xf32, #tpu.memory_space<vmem>>
    tpu.wait_dma2 semaphore(%arg5 : memref<!tpu.dma_semaphore, #tpu.memory_space<semaphore_mem>>) src(%dma_wait3A_480 : memref<1x4096xf32, #tpu.memory_space<vmem>>) dst(%dma_wait3A_477 : memref<1x4096xf32, #tpu.memory_space<hbm>>)
    %add3A_481 = arith.constant 14 : i32
    %add3A_482 = arith.addi %mul3A_2, %add3A_481 : i32
    %dma_wait3A_483 = arith.constant 14 : i32
    %dma_wait3A_484 = arith.constant 0 : i32
    %dma_wait3A_485 = tpu.memref_slice %arg4[%dma_wait3A_483, %dma_wait3A_484] : memref<16x4096xf32, #tpu.memory_space<vmem>> -> memref<1x4096xf32, #tpu.memory_space<vmem>>
    %dma_wait3A_486 = arith.constant 32 : i32
    %dma_wait3A_487 = arith.constant 0 : i32
    %dma_wait3A_488 = tpu.memref_slice %arg3[%add3A_482, %dma_wait3A_486, %dma_wait3A_487] : memref<512x33x4096xf32, #tpu.memory_space<hbm>> -> memref<1x1x4096xf32, #tpu.memory_space<hbm>>
    %dma_wait3A_489 = tpu.memref_squeeze %dma_wait3A_488 : memref<1x1x4096xf32, #tpu.memory_space<hbm>> -> memref<1x4096xf32, #tpu.memory_space<hbm>>
    %dma_wait3A_490 = arith.constant 32 : i32
    %dma_wait3A_491 = arith.constant 0 : i32
    %dma_wait3A_492 = tpu.memref_slice %arg3[%add3A_482, %dma_wait3A_490, %dma_wait3A_491] : memref<512x33x4096xf32, #tpu.memory_space<hbm>> -> memref<1x1x4096xf32, #tpu.memory_space<hbm>>
    %dma_wait3A_493 = tpu.memref_squeeze %dma_wait3A_492 : memref<1x1x4096xf32, #tpu.memory_space<hbm>> -> memref<1x4096xf32, #tpu.memory_space<hbm>>
    %dma_wait3A_494 = arith.constant 14 : i32
    %dma_wait3A_495 = arith.constant 0 : i32
    %dma_wait3A_496 = tpu.memref_slice %arg4[%dma_wait3A_494, %dma_wait3A_495] : memref<16x4096xf32, #tpu.memory_space<vmem>> -> memref<1x4096xf32, #tpu.memory_space<vmem>>
    tpu.wait_dma2 semaphore(%arg5 : memref<!tpu.dma_semaphore, #tpu.memory_space<semaphore_mem>>) src(%dma_wait3A_496 : memref<1x4096xf32, #tpu.memory_space<vmem>>) dst(%dma_wait3A_493 : memref<1x4096xf32, #tpu.memory_space<hbm>>)
    %add3A_497 = arith.constant 15 : i32
    %add3A_498 = arith.addi %mul3A_2, %add3A_497 : i32
    %dma_wait3A_499 = arith.constant 15 : i32
    %dma_wait3A_500 = arith.constant 0 : i32
    %dma_wait3A_501 = tpu.memref_slice %arg4[%dma_wait3A_499, %dma_wait3A_500] : memref<16x4096xf32, #tpu.memory_space<vmem>> -> memref<1x4096xf32, #tpu.memory_space<vmem>>
    %dma_wait3A_502 = arith.constant 32 : i32
    %dma_wait3A_503 = arith.constant 0 : i32
    %dma_wait3A_504 = tpu.memref_slice %arg3[%add3A_498, %dma_wait3A_502, %dma_wait3A_503] : memref<512x33x4096xf32, #tpu.memory_space<hbm>> -> memref<1x1x4096xf32, #tpu.memory_space<hbm>>
    %dma_wait3A_505 = tpu.memref_squeeze %dma_wait3A_504 : memref<1x1x4096xf32, #tpu.memory_space<hbm>> -> memref<1x4096xf32, #tpu.memory_space<hbm>>
    %dma_wait3A_506 = arith.constant 32 : i32
    %dma_wait3A_507 = arith.constant 0 : i32
    %dma_wait3A_508 = tpu.memref_slice %arg3[%add3A_498, %dma_wait3A_506, %dma_wait3A_507] : memref<512x33x4096xf32, #tpu.memory_space<hbm>> -> memref<1x1x4096xf32, #tpu.memory_space<hbm>>
    %dma_wait3A_509 = tpu.memref_squeeze %dma_wait3A_508 : memref<1x1x4096xf32, #tpu.memory_space<hbm>> -> memref<1x4096xf32, #tpu.memory_space<hbm>>
    %dma_wait3A_510 = arith.constant 15 : i32
    %dma_wait3A_511 = arith.constant 0 : i32
    %dma_wait3A_512 = tpu.memref_slice %arg4[%dma_wait3A_510, %dma_wait3A_511] : memref<16x4096xf32, #tpu.memory_space<vmem>> -> memref<1x4096xf32, #tpu.memory_space<vmem>>
    tpu.wait_dma2 semaphore(%arg5 : memref<!tpu.dma_semaphore, #tpu.memory_space<semaphore_mem>>) src(%dma_wait3A_512 : memref<1x4096xf32, #tpu.memory_space<vmem>>) dst(%dma_wait3A_509 : memref<1x4096xf32, #tpu.memory_space<hbm>>)
    return
  }
}

module attributes {stable_mosaic.version = 14 : i64} {
  func.func @_tc_slabs_body(%arg0: i32, %arg1: memref<4096x32xf32, #tpu.memory_space<vmem>>, %arg2: memref<512x33x4096xf32, #tpu.memory_space<hbm>>, %arg3: memref<16x32x4096xf32, #tpu.memory_space<vmem>>, %arg4: memref<32x4096xf32, #tpu.memory_space<vmem>>) attributes {dimension_semantics = [#tpu.dimension_semantics<arbitrary>], iteration_bounds = array<i64: 32>, scalar_prefetch = 0 : i64, scratch_operands = 1 : i64, tpu.core_type = #tpu.core_type<tc>, window_params = [{pipeline_mode = #tpu.pipeline_mode<synchronous>, transform_indices = @transform_0, window_bounds = array<i64: 4096, 32>}, {}, {transform_indices = @transform_2, window_bounds = array<i64: 16, 32, 4096>}]} {
    %eq3A = arith.constant 0 : i32
    %eq3A_0 = arith.cmpi eq, %arg0, %eq3A : i32
    %convert_element_type3A = arith.extui %eq3A_0 : i1 to i32
    %cond3A = arith.constant 0 : i32
    %cond3A_1 = arith.cmpi ne, %convert_element_type3A, %cond3A : i32
    scf.if %cond3A_1 {
      %get3A_9 = arith.constant 0 : index
      %get3A_10 = arith.constant 0 : index
      %get3A_11 = vector.load %arg1[%get3A_9, %get3A_10] : memref<4096x32xf32, #tpu.memory_space<vmem>>, vector<4096x32xf32>
      %transpose3A = tpu.transpose %get3A_11, [1, 0] : vector<4096x32xf32> -> vector<32x4096xf32>
      %swap3A_12 = arith.constant 0 : index
      %swap3A_13 = arith.constant 0 : index
      %swap3A_14 = vector.load %arg4[%swap3A_12, %swap3A_13] : memref<32x4096xf32, #tpu.memory_space<vmem>>, vector<32x4096xf32>
      tpu.vector_store %arg4[%swap3A_12, %swap3A_13], %transpose3A {strides = array<i32>} : memref<32x4096xf32, #tpu.memory_space<vmem>>, vector<32x4096xf32>,
    } else {
    }
    %get3A = arith.constant 0 : index
    %get3A_2 = arith.constant 0 : index
    %get3A_3 = vector.load %arg4[%get3A, %get3A_2] : memref<32x4096xf32, #tpu.memory_space<vmem>>, vector<32x4096xf32>
    %broadcast_in_dim3A = vector.shape_cast %get3A_3 : vector<32x4096xf32> to vector<1x32x4096xf32>
    %broadcast_in_dim3A_4 = vector.shape_cast %broadcast_in_dim3A : vector<1x32x4096xf32> to vector<1x32x4096xf32>
    %broadcast_in_dim3A_5 = vector.broadcast %broadcast_in_dim3A_4 : vector<1x32x4096xf32> to vector<16x32x4096xf32>
    %swap3A = arith.constant 0 : index
    %swap3A_6 = arith.constant 0 : index
    %swap3A_7 = arith.constant 0 : index
    %swap3A_8 = vector.load %arg3[%swap3A, %swap3A_6, %swap3A_7] : memref<16x32x4096xf32, #tpu.memory_space<vmem>>, vector<16x32x4096xf32>
    tpu.vector_store %arg3[%swap3A, %swap3A_6, %swap3A_7], %broadcast_in_dim3A_5 {strides = array<i32>} : memref<16x32x4096xf32, #tpu.memory_space<vmem>>, vector<16x32x4096xf32>,
    return
  }
  func.func @transform_0(%arg0: i32) -> (i32, i32) {
    %c0_i32 = arith.constant 0 : i32
    %c0_i32_0 = arith.constant 0 : i32
    %c0_i32_1 = arith.constant 0 : i32
    return %c0_i32, %c0_i32_0 : i32, i32
  }
  func.func @transform_2(%arg0: i32) -> (i32, i32, i32) {
    %c0_i32 = arith.constant 0 : i32
    %c0_i32_0 = arith.constant 0 : i32
    %c0_i32_1 = arith.constant 0 : i32
    return %arg0, %c0_i32, %c0_i32_0 : i32, i32, i32
  }
}

</mosaic_0001>

<sc_bundles>
// kernel: kernel.4.cloned.1.call-start
scs
__scs_entry_jumppad:
0x0: {  	(pc) =	sbr.rel $0x88, $3  }
0x1: {  	(tag) =	ssettag $0x0;
	lr =	simm.s32 $0x1  }
0x2: {  	[smem:$0x3F9F] =	sst lr;
	_ =	strace $0xD0000000  }
0x3: {  	_ = 	snop  }
0x4: {  	_ = 	snop  }
0x5: {  	_ = 	snop  }
0x6: {  	_ = 	snop  }
0x7: {  	_ = 	snop  }
__scs_overlays_trampoline_lowered:
0x8: {  	[smem:$0x3FAE] =	sst s0  }
0x9: {  	[smem:$0x3FAF] =	sst s1  }
0xa: {  	[smem:$0x3FB0] =	sst s2  }
0xb: {  	[smem:$0x3FB1] =	sst s3  }
0xc: {  	[smem:$0x3FB2] =	sst s4  }
0xd: {  	[smem:$0x3FB3] =	sst s5  }
0xe: {  	[smem:$0x3FB4] =	sst s6  }
0xf: {  	[smem:$0x3FB5] =	sst s7  }
0x10: {  	[smem:$0x3FB6] =	sst s8  }
0x11: {  	[smem:$0x3FB7] =	sst s9;
	s0 =	simm.s32 @!p0 $0x0  }
0x12: {  	s1 =	sld [smem:$0x3F9D];
	s0 =	simm.s32 @p0 $0x1  }
0x13: {  	[smem:$0x3FB8] =	sst s0;
	s0 =	simm.s32 @!p1 $0x0  }
0x14: {  	s2 =	sld [smem:$0x3F9C];
	s0 =	simm.s32 @p1 $0x1  }
0x15: {  	[smem:$0x3FB9] =	sst s0;
	s0 =	simm.s32 @!p2 $0x0  }
0x16: {  	s3 =	sld [smem:$0x3FDB];
	s0 =	simm.s32 @p2 $0x1  }
0x17: {  	s4 =	simm.s32 $0x1BF5;
	[smem:$0x3FBB] =	sst s0  }
0x18: {  	s0 =	sld [smem:$0x3F9E];
	_ =	swait.ge [sflag:s4], $0x0  }
0x19: {  	s7 =	sld [smem:$0x3F9F]  }
0x1a: {  	s8 =	sadd.s32 $0xFFFFE003, lr  }
0x1b: {  	s9 =	sadd.s32 $0xFFFFFEF7, lr;
	s5 =	simm.s32 $0xFFFFFFFF;
	p2 =	slt.u32 s8, $0xFFFFF086  }
0x1c: {  	p1 =	slt.u32 s9, $0xF7A;
	s5 =	simm.s32 @!p2 $0x0  }
0x1d: {  	s5 =	simm.s32 @p1 $0x1;
	p0 =	seq.s32 s7, s2  }
0x1e: {  	s7 =	smul.u32 @!p0 $0xF7A, s2;
	p2 =	seq.s32 @!p0 s5, $0x0  }
0x1f: {  	s9 =	smul.u32 $0xF7A, s1;
	s8 =	simm.s32 @!p0 $0x1BF5;
	p2 =	por !p2, p0  }
0x20: {  	[sflag:s8] =	ssyncset.s32 @!p0 $0xFFFFF086;
	s6 =	sadd.s32 @!p0 s3, s7;
	s7 =	simm.s32 @!p0 $0x108  }
0x21: {  	s3 =	sadd.s32 s3, s9;
	s6 =	sadd.s32 @!p0 $0x88, s6;
	s7 =	simm.s32 @p2 $0x1082  }
0x22: {  	[simem:s7], [sflag:s8] =	dma.local @!p0 [hbm:s6], $0xF7A  }
0x23: {  	s9 =	sor.u32 $0xD0000000, s2;
	s6 =	simm.s32 $0x108;
	_ =	swait.ge @!p0 [sflag:s8], $0x0  }
0x24: {  	s3 =	sadd.s32 $0x88, s3;
	s6 =	simm.s32 @!p1 $0x1082;
	[sflag:s4] =	ssyncset.s32 $0xFFFFF086  }
0x25: {  	[simem:s6], [sflag:s4] =	dma.local [hbm:s3], $0xF7A  }
0x26: {  	[smem:$0x3F9F] =	sst s1;
	(tag) =	ssettag s2;
	_ =	strace s9  }
0x27: {  	s1 =	sld [smem:$0x3FAF]  }
0x28: {  	s2 =	sld [smem:$0x3FB0]  }
0x29: {  	s4 =	sld [smem:$0x3FB2]  }
0x2a: {  	p0 =	seq.s32 s5, $0x0;
	s5 =	sld [smem:$0x3FB3]  }
0x2b: {  	s6 =	sld [smem:$0x3FB4]  }
0x2c: {  	s7 =	sld [smem:$0x3FB5]  }
0x2d: {  	s3 =	simm.s32 $0x108;
	s8 =	sld [smem:$0x3FB6]  }
0x2e: {  	s3 =	simm.s32 @!p0 $0x1082;
	s9 =	sld [smem:$0x3FB7]  }
0x2f: {  	lr =	sadd.s32 s0, s3;
	s0 =	sld [smem:$0x3FAE]  }
0x30: {  	s3 =	sld [smem:$0x3FB1]  }
0x31: {  	[smem:$0x3FBA] =	sst s10  }
0x32: {  	s10 =	sld [smem:$0x3FB8];
	_ =	sdelay $0x3  }
0x33: {  	p0 =	seq.s32 s10, $0x1;
	s10 =	sld [smem:$0x3FBA];
	_ =	sdelay $0x3  }
0x34: {  	[smem:$0x3FBA] =	sst s10  }
0x35: {  	s10 =	sld [smem:$0x3FB9];
	_ =	sdelay $0x3  }
0x36: {  	p1 =	seq.s32 s10, $0x1;
	s10 =	sld [smem:$0x3FBA];
	_ =	sdelay $0x3  }
0x37: {  	[smem:$0x3FBA] =	sst s10  }
0x38: {  	s10 =	sld [smem:$0x3FBB]  }
0x39: {  	_ = 	snop;
	(pc) =	sbr.ind lr, $3  }
0x3a: {  	_ = 	snop  }
0x3b: {  	_ = 	snop  }
0x3c: {  	p2 =	seq.s32 s10, $0x1;
	s10 =	sld [smem:$0x3FBA]  }
0x3d: {  	_ =	shalt  }
0x3e: {  	_ =	shalt  }
0x3f: {  	_ =	shalt  }
0x40: {  	_ =	shalt  }
0x41: {  	_ =	shalt  }
0x42: {  	_ =	shalt  }
0x43: {  	_ =	shalt  }
0x44: {  	_ =	shalt  }
0x45: {  	_ =	shalt  }
0x46: {  	_ =	shalt  }
0x47: {  	_ =	shalt  }
0x48: {  	_ =	shalt  }
0x49: {  	_ =	shalt  }
0x4a: {  	_ =	shalt  }
0x4b: {  	_ =	shalt  }
0x4c: {  	_ =	shalt  }
0x4d: {  	_ =	shalt  }
0x4e: {  	_ =	shalt  }
0x4f: {  	_ =	shalt  }
0x50: {  	_ =	shalt  }
0x51: {  	_ =	shalt  }
0x52: {  	_ =	shalt  }
0x53: {  	_ =	shalt  }
0x54: {  	_ =	shalt  }
0x55: {  	_ =	shalt  }
0x56: {  	_ =	shalt  }
0x57: {  	_ =	shalt  }
0x58: {  	_ =	shalt  }
0x59: {  	_ =	shalt  }
0x5a: {  	_ =	shalt  }
0x5b: {  	_ =	shalt  }
0x5c: {  	_ =	shalt  }
0x5d: {  	_ =	shalt  }
0x5e: {  	_ =	shalt  }
0x5f: {  	_ =	shalt  }
0x60: {  	_ =	shalt  }
0x61: {  	_ =	shalt  }
0x62: {  	_ =	shalt  }
0x63: {  	_ =	shalt  }
0x64: {  	_ =	shalt  }
0x65: {  	_ =	shalt  }
0x66: {  	_ =	shalt  }
0x67: {  	_ =	shalt  }
0x68: {  	_ =	shalt  }
0x69: {  	_ =	shalt  }
0x6a: {  	_ =	shalt  }
0x6b: {  	_ =	shalt  }
0x6c: {  	_ =	shalt  }
0x6d: {  	_ =	shalt  }
0x6e: {  	_ =	shalt  }
0x6f: {  	_ =	shalt  }
0x70: {  	_ =	shalt  }
0x71: {  	_ =	shalt  }
0x72: {  	_ =	shalt  }
0x73: {  	_ =	shalt  }
0x74: {  	_ =	shalt  }
0x75: {  	_ =	shalt  }
0x76: {  	_ =	shalt  }
0x77: {  	_ =	shalt  }
0x78: {  	_ =	shalt  }
0x79: {  	_ =	shalt  }
0x7a: {  	_ =	shalt  }
0x7b: {  	_ =	shalt  }
0x7c: {  	_ =	shalt  }
0x7d: {  	_ =	shalt  }
0x7e: {  	_ =	shalt  }
0x7f: {  	_ =	shalt  }
0x80: {  	_ =	shalt  }
0x81: {  	_ =	shalt  }
0x82: {  	_ =	shalt  }
0x83: {  	_ =	shalt  }
0x84: {  	_ =	shalt  }
0x85: {  	_ =	shalt  }
0x86: {  	_ =	shalt  }
0x87: {  	_ =	shalt  }
.Lfunc_end0:
.L_simem_size_0:
called_computation_lowered:
.L_overlay_start_0:
0x88: {  	s2 =	sld [smem:$0x3FD9]  }
0x89: {  	s3 =	sld [smem:$0x3FFE];
	_ =	sdelay $0x1  }
0x8a: {  	s1 =	srdreg.scid  }
0x8b: {  	s0 =	sand.u32 $0x1, s1  }
0x8c: {  	s17 =	sshll.u32 s0, $0xA;
	s2 =	sadd.s32 s3, s2  }
0x8d: {  	s2 =	sadd.s32 s2, s17  }
0x8e: {  	[smem:$0x3FC6] =	sst s2  }
0x8f: {  	_ = 	snop  }
0x90: {  	s2 =	sld [smem:$0x3FC9];
	(tm) =	ssettm $0x1  }
0x91: {  	s18 =	sld [smem:$0x3FFB];
	_ =	sdelay $0x3  }
0x92: {  	_ =	strace s18  }
0x93: {  	s3 =	sld [smem:$0x3FFC];
	_ =	sdelay $0x3  }
0x94: {  	_ =	strace s3  }
0x95: {  	s3 =	sld [smem:$0x3FFD];
	_ =	sdelay $0x3  }
0x96: {  	_ =	strace s3  }
0x97: {  	_ =	strace $0x8FFFFFFF  }
0x98: {  	s19 =	sld [smem:$0x3FDB];
	_ =	sdelay $0x1  }
0x99: {  	s4 =	simm.s32 $_scs_section_size  }
0x9a: {  	s5 =	simm.s32 $_size__tile_overlayer_lowered;
	s6 =	simm.s32 $_tile_overlayer_lowered  }
0x9b: {  	s22 =	simm.s32 $0x1BFF;
	s21 =	sshll.u32 s6, $0x1;
	s3 =	sadd.s32 s4, s19  }
0x9c: {  	s7 =	simm.s32 $0x0;
	s20 =	sshll.u32 s5, $0x1;
	s5 =	sadd.s32 s21, s3  }
0x9d: {  	[timem:s7], [sflag:s22] =	dma.local [hbm:s5], s20  }
0x9e: {  	_ =	swait.ge [sflag:s22], s20  }
0x9f: {  	s4 =	ssub.s32 $0x0, s20;
	[sflag:s22] =	ssyncset.done $0x0  }
0xa0: {  	[sflag:s22] =	ssyncadd.s32 s4;
	_ =	sdelay $0x1  }
0xa1: {  	s23 =	simm.s32 $0x1B8B  }
0xa2: {  	_ =	swait.ge [sflag:s23], $0x1  }
0xa3: {  	[sflag:s23] =	ssyncset.done $0x0  }
0xa4: {  	s25 =	simm.s32 $0x1B8E;
	s24 =	sld [smem:$0x3FFE];
	[sflag:s23] =	ssyncadd.s32 $0xFFFFFFFF  }
0xa5: {  	s26 =	simm.s32 $execute0_lowered;
	[smem:$0x3FD2] =	sst s25  }
0xa6: {  	s5 =	sshll.u32 s26, $0x1;
	_ =	strace $0x80000046;
	[dreg:$0x1] =	wrdreg $0xFFFFFFFF  }
0xa7: {  	s28 =	simm.s32 $_size_execute0_lowered;
	s3 =	sadd.s32 s3, s5;
	[dreg:$0x0] =	wrdreg $0x0  }
0xa8: {  	s5 =	sshll.u32 s28, $0x1;
	[dreg:$0x2] =	wrdreg s3  }
0xa9: {  	[dreg:$0x3] =	wrdreg s5  }
0xaa: {  	[dreg:$0x4] =	wrdreg $0xC0  }
0xab: {  	_ =	task [dreg:s7], $0x5FFFF  }
0xac: {  	[dreg:$0x1] =	wrdreg $0xFFFFFFFF  }
0xad: {  	[dreg:$0x0] =	wrdreg $0x60  }
0xae: {  	[dreg:$0x2] =	wrdreg s2  }
0xaf: {  	[dreg:$0x3] =	wrdreg s24  }
0xb0: {  	[dreg:$0x4] =	wrdreg $0x9  }
0xb1: {  	_ =	task.clear_ibuf [dreg:s7], $0x5FFFF;
	_ =	strace $0x90000046  }
0xb2: {  	s29 =	simm.s32 $0x9;
	_ =	strace $0x80000048  }
0xb3: {  	_ =	swait.ge [sflag:s29], $0x1  }
0xb4: {  	[sflag:s29] =	ssyncadd.s32 $0xFFFFFFFF  }
0xb5: {  	_ =	strace $0x90000048  }
0xb6: {  	_ =	sfence  }
0xb7: {  	s30 =	sld [smem:$0x0];
	_ =	sdelay $0x2  }
0xb8: {  	s31 =	sshll.u32 s1, $0xD;
	s1 =	sshrl.u32 s1, $0x2  }
0xb9: {  	s3 =	sand.u32 $0x4000, s31;
	s1 =	sadd.s32 s1, s30  }
0xba: {  	s0 =	sor.u32 s3, s0;
	s1 =	sshll.u32 s1, $0x11  }
0xbb: {  	s0 =	sor.u32 s1, s0  }
0xbc: {  	s0 =	sadd.s32 $0x8F2B, s0  }
0xbd: {  	[sflag:s0] =	ssyncadd.remote.s32 $0x1  }
0xbe: {  	_ =	sfence.sel $0xFFFF  }
0xbf: {  	[dreg:$0x0] =	wrdreg $0xFFFFFFFF;
	(pc) =	sbr.abs _section_cstart, $3  }
0xc0: {  	[dreg:$0x1] =	wrdreg $0xFFFFFFFF  }
0xc1: {  	_ =	task.clear_ibuf [dreg:s7], $0x2FFFF;
	_ =	strace $0x9FFFFFFF  }
0xc2: {  	(tm) =	ssettm $0x7FFFFFFF  }
0xc3: {  	_ =	shalt  }
tec
execute0_lowered:
.L_overlay_start_1:
0x0: {  	(tag) =	ssettag $0x1  }
0x1: {  	s3 =	rddreg [dreg:$0x0]  }
0x2: {  	s1 =	srdreg.scid;
	s0 =	stileid.u32  }
0x3: {  	s4 =	rddreg [dreg:$0x1];
	s2 =	simm.s32 $0x0;
	s21 =	simm.s32 $0x2  }
0x4: {  	s22 =	simm.s32 $0x1;
	s5 =	sand.u32 $0x1, s1;
	s6 =	sshll.u32 s0, $0x1  }
0x5: {  	s23 =	simm.s32 $0x0;
	s1 =	rddreg [dreg:$0x2];
	s6 =	sor.u32 s5, s6  }
0x6: {  	[smem:$0x7FF] =	sst s2;
	s5 =	ssub.s32 $0x2, s5;
	s7 =	smul.u32 $0x50000, s6  }
0x7: {  	s10 =	sadd.s32 $0x600, s4;
	s8 =	sshrl.u32 s5, $0x1;
	s9 =	smul.u32 $0x280000, s6  }
0x8: {  	_ =	strace $0x80000047;
	s29 =	sshll.u32 s6, $0xD;
	s20 =	ssub.s32 s5, s8  }
0x9: {  	s3 =	sadd.s32 s3, s29;
	s30 =	sadd.s32 s7, s10;
	s31 =	sshrl.u32 s9, $0x3  }
0xa: {  	s20 =	smax.u32 s20, $0x1;
	s4 =	sadd.s32 $0x4000, s30;
	s19 =	sadd.s32 s10, s31  }
0xb: {  	s5 =	sadd.s32 $0x9000, s30;
	s6 =	sadd.s32 $0xE000, s30;
	s7 =	sadd.s32 $0x13000, s19  }
0xc: {  	s8 =	sadd.s32 $0x18000, s19;
	s9 =	sadd.s32 $0x1D000, s19;
	s10 =	sadd.s32 $0x22000, s19  }
0xd: {  	s11 =	sadd.s32 $0x27000, s19;
	s12 =	sadd.s32 $0x2C000, s19;
	s13 =	sadd.s32 $0x31000, s19  }
0xe: {  	s14 =	sadd.s32 $0x36000, s19;
	s15 =	sadd.s32 $0x3B000, s19;
	s16 =	sadd.s32 $0x40000, s19  }
0xf: {  	s17 =	sadd.s32 $0x45000, s19;
	s18 =	sadd.s32 $0x4A000, s19;
	s19 =	sadd.s32 $0x4F000, s19  }
.LBB2_1:
0x10: {  	[tilespmem:s2], [sflag:$0x2] =	stream.linear.gather [hbm4b:s3+s2], $0x10000, $0x38;
	[tilespmem:$0x10000] =	vst v63  }
0x11: {  	_ =	swait.ge [sflag:s21], $0x10000  }
0x12: {  	s24 =	simm.s32 $0x80;
	s28 =	sadd.s32 $0x0, s4;
	[sflag:s21] =	ssyncset.done $0x0  }
0x13: {  	s25 =	simm.s32 $0x400;
	s26 =	simm.s32 $0x0;
	[sflag:s21] =	ssyncadd.s32 $0xFFFF0000  }
.LBB2_2:
0x14: {  	[hbm4b:s28+s2] =	stream.linear.scatter [tilespmem:s26], [sflag:$0x1], $0x80, $0x38;
	[tilespmem:$0x10000] =	vst v63  }
0x15: {  	s28 =	smov.u32 s24;
	s26 =	smov.u32 s25;
	p0 =	sne.s32 s24, $0xF80  }
.Ltmp0:
0x16: {  	s24 =	sadd.s32 $0x80, s24;
	(pc) =	sbr.rel @p0 .LBB2_2-.Ltmp0, $2  }
0x17: {  	_ =	sdelay $0x2  }
0x18: {  	s25 =	sadd.s32 $0x400, s25;
	s28 =	sadd.s32 s28, s4  }
0x19: {  	[hbm4b:s28+s2] =	stream.linear.scatter [tilespmem:s26], [sflag:$0x1], $0x80, $0x38;
	[tilespmem:$0x10000] =	vst v63  }
0x1a: {  	s24 =	simm.s32 $0x80  }
0x1b: {  	s25 =	simm.s32 $0x80;
	s28 =	sadd.s32 $0x0, s5;
	s26 =	simm.s32 $0x480  }
.LBB2_4:
0x1c: {  	[hbm4b:s28+s2] =	stream.linear.scatter [tilespmem:s24], [sflag:$0x1], $0x80, $0x38;
	[tilespmem:$0x10000] =	vst v63  }
0x1d: {  	s28 =	smov.u32 s25;
	s24 =	smov.u32 s26;
	p0 =	sne.s32 s25, $0xF80  }
.Ltmp1:
0x1e: {  	s25 =	sadd.s32 $0x80, s25;
	(pc) =	sbr.rel @p0 .LBB2_4-.Ltmp1, $2  }
0x1f: {  	_ =	sdelay $0x2  }
0x20: {  	s26 =	sadd.s32 $0x400, s26;
	s28 =	sadd.s32 s28, s5  }
0x21: {  	[hbm4b:s28+s2] =	stream.linear.scatter [tilespmem:s24], [sflag:$0x1], $0x80, $0x38;
	[tilespmem:$0x10000] =	vst v63  }
0x22: {  	s24 =	simm.s32 $0x100  }
0x23: {  	s25 =	simm.s32 $0x80;
	s28 =	sadd.s32 $0x0, s6;
	s26 =	simm.s32 $0x500  }
.LBB2_6:
0x24: {  	[hbm4b:s28+s2] =	stream.linear.scatter [tilespmem:s24], [sflag:$0x1], $0x80, $0x38;
	[tilespmem:$0x10000] =	vst v63  }
0x25: {  	s28 =	smov.u32 s25;
	s24 =	smov.u32 s26;
	p0 =	sne.s32 s25, $0xF80  }
.Ltmp2:
0x26: {  	s25 =	sadd.s32 $0x80, s25;
	(pc) =	sbr.rel @p0 .LBB2_6-.Ltmp2, $2  }
0x27: {  	_ =	sdelay $0x2  }
0x28: {  	s26 =	sadd.s32 $0x400, s26;
	s28 =	sadd.s32 s28, s6  }
0x29: {  	[hbm4b:s28+s2] =	stream.linear.scatter [tilespmem:s24], [sflag:$0x1], $0x80, $0x38;
	[tilespmem:$0x10000] =	vst v63  }
0x2a: {  	s24 =	simm.s32 $0x180  }
0x2b: {  	s25 =	simm.s32 $0x80;
	s28 =	sadd.s32 $0x0, s7;
	s26 =	simm.s32 $0x580  }
.LBB2_8:
0x2c: {  	[hbm4b:s28+s2] =	stream.linear.scatter [tilespmem:s24], [sflag:$0x1], $0x80, $0x38;
	[tilespmem:$0x10000] =	vst v63  }
0x2d: {  	s28 =	smov.u32 s25;
	s24 =	smov.u32 s26;
	p0 =	sne.s32 s25, $0xF80  }
.Ltmp3:
0x2e: {  	s25 =	sadd.s32 $0x80, s25;
	(pc) =	sbr.rel @p0 .LBB2_8-.Ltmp3, $2  }
0x2f: {  	_ =	sdelay $0x2  }
0x30: {  	s26 =	sadd.s32 $0x400, s26;
	s28 =	sadd.s32 s28, s7  }
0x31: {  	[hbm4b:s28+s2] =	stream.linear.scatter [tilespmem:s24], [sflag:$0x1], $0x80, $0x38;
	[tilespmem:$0x10000] =	vst v63  }
0x32: {  	s24 =	simm.s32 $0x200  }
0x33: {  	s25 =	simm.s32 $0x80;
	s28 =	sadd.s32 $0x0, s8;
	s26 =	simm.s32 $0x600  }
.LBB2_10:
0x34: {  	[hbm4b:s28+s2] =	stream.linear.scatter [tilespmem:s24], [sflag:$0x1], $0x80, $0x38;
	[tilespmem:$0x10000] =	vst v63  }
0x35: {  	s28 =	smov.u32 s25;
	s24 =	smov.u32 s26;
	p0 =	sne.s32 s25, $0xF80  }
.Ltmp4:
0x36: {  	s25 =	sadd.s32 $0x80, s25;
	(pc) =	sbr.rel @p0 .LBB2_10-.Ltmp4, $2  }
0x37: {  	_ =	sdelay $0x2  }
0x38: {  	s26 =	sadd.s32 $0x400, s26;
	s28 =	sadd.s32 s28, s8  }
0x39: {  	[hbm4b:s28+s2] =	stream.linear.scatter [tilespmem:s24], [sflag:$0x1], $0x80, $0x38;
	[tilespmem:$0x10000] =	vst v63  }
0x3a: {  	s24 =	simm.s32 $0x280  }
0x3b: {  	s25 =	simm.s32 $0x80;
	s28 =	sadd.s32 $0x0, s9;
	s26 =	simm.s32 $0x680  }
.LBB2_12:
0x3c: {  	[hbm4b:s28+s2] =	stream.linear.scatter [tilespmem:s24], [sflag:$0x1], $0x80, $0x38;
	[tilespmem:$0x10000] =	vst v63  }
0x3d: {  	s28 =	smov.u32 s25;
	s24 =	smov.u32 s26;
	p0 =	sne.s32 s25, $0xF80  }
.Ltmp5:
0x3e: {  	s25 =	sadd.s32 $0x80, s25;
	(pc) =	sbr.rel @p0 .LBB2_12-.Ltmp5, $2  }
0x3f: {  	_ =	sdelay $0x2  }
0x40: {  	s26 =	sadd.s32 $0x400, s26;
	s28 =	sadd.s32 s28, s9  }
0x41: {  	[hbm4b:s28+s2] =	stream.linear.scatter [tilespmem:s24], [sflag:$0x1], $0x80, $0x38;
	[tilespmem:$0x10000] =	vst v63  }
0x42: {  	s24 =	simm.s32 $0x300  }
0x43: {  	s25 =	simm.s32 $0x80;
	s28 =	sadd.s32 $0x0, s10;
	s26 =	simm.s32 $0x700  }
.LBB2_14:
0x44: {  	[hbm4b:s28+s2] =	stream.linear.scatter [tilespmem:s24], [sflag:$0x1], $0x80, $0x38;
	[tilespmem:$0x10000] =	vst v63  }
0x45: {  	s28 =	smov.u32 s25;
	s24 =	smov.u32 s26;
	p0 =	sne.s32 s25, $0xF80  }
.Ltmp6:
0x46: {  	s25 =	sadd.s32 $0x80, s25;
	(pc) =	sbr.rel @p0 .LBB2_14-.Ltmp6, $2  }
0x47: {  	_ =	sdelay $0x2  }
0x48: {  	s26 =	sadd.s32 $0x400, s26;
	s28 =	sadd.s32 s28, s10  }
0x49: {  	[hbm4b:s28+s2] =	stream.linear.scatter [tilespmem:s24], [sflag:$0x1], $0x80, $0x38;
	[tilespmem:$0x10000] =	vst v63  }
0x4a: {  	s24 =	simm.s32 $0x380  }
0x4b: {  	s25 =	simm.s32 $0x80;
	s28 =	sadd.s32 $0x0, s11;
	s26 =	simm.s32 $0x780  }
.LBB2_16:
0x4c: {  	[hbm4b:s28+s2] =	stream.linear.scatter [tilespmem:s24], [sflag:$0x1], $0x80, $0x38;
	[tilespmem:$0x10000] =	vst v63  }
0x4d: {  	s28 =	smov.u32 s25;
	s24 =	smov.u32 s26;
	p0 =	sne.s32 s25, $0xF80  }
.Ltmp7:
0x4e: {  	s25 =	sadd.s32 $0x80, s25;
	(pc) =	sbr.rel @p0 .LBB2_16-.Ltmp7, $2  }
0x4f: {  	_ =	sdelay $0x2  }
0x50: {  	s26 =	sadd.s32 $0x400, s26;
	s28 =	sadd.s32 s28, s11  }
0x51: {  	[hbm4b:s28+s2] =	stream.linear.scatter [tilespmem:s24], [sflag:$0x1], $0x80, $0x38;
	[tilespmem:$0x10000] =	vst v63  }
0x52: {  	s24 =	simm.s32 $0x8000  }
0x53: {  	s25 =	simm.s32 $0x80;
	s28 =	sadd.s32 $0x0, s12;
	s26 =	simm.s32 $0x8400  }
.LBB2_18:
0x54: {  	[hbm4b:s28+s2] =	stream.linear.scatter [tilespmem:s24], [sflag:$0x1], $0x80, $0x38;
	[tilespmem:$0x10000] =	vst v63  }
0x55: {  	s28 =	smov.u32 s25;
	s24 =	smov.u32 s26;
	p0 =	sne.s32 s25, $0xF80  }
.Ltmp8:
0x56: {  	s25 =	sadd.s32 $0x80, s25;
	(pc) =	sbr.rel @p0 .LBB2_18-.Ltmp8, $2  }
0x57: {  	_ =	sdelay $0x2  }
0x58: {  	s26 =	sadd.s32 $0x400, s26;
	s28 =	sadd.s32 s28, s12  }
0x59: {  	[hbm4b:s28+s2] =	stream.linear.scatter [tilespmem:s24], [sflag:$0x1], $0x80, $0x38;
	[tilespmem:$0x10000] =	vst v63  }
0x5a: {  	s24 =	simm.s32 $0x8080  }
0x5b: {  	s25 =	simm.s32 $0x80;
	s28 =	sadd.s32 $0x0, s13;
	s26 =	simm.s32 $0x8480  }
.LBB2_20:
0x5c: {  	[hbm4b:s28+s2] =	stream.linear.scatter [tilespmem:s24], [sflag:$0x1], $0x80, $0x38;
	[tilespmem:$0x10000] =	vst v63  }
0x5d: {  	s28 =	smov.u32 s25;
	s24 =	smov.u32 s26;
	p0 =	sne.s32 s25, $0xF80  }
.Ltmp9:
0x5e: {  	s25 =	sadd.s32 $0x80, s25;
	(pc) =	sbr.rel @p0 .LBB2_20-.Ltmp9, $2  }
0x5f: {  	_ =	sdelay $0x2  }
0x60: {  	s26 =	sadd.s32 $0x400, s26;
	s28 =	sadd.s32 s28, s13  }
0x61: {  	[hbm4b:s28+s2] =	stream.linear.scatter [tilespmem:s24], [sflag:$0x1], $0x80, $0x38;
	[tilespmem:$0x10000] =	vst v63  }
0x62: {  	s24 =	simm.s32 $0x8100  }
0x63: {  	s25 =	simm.s32 $0x80;
	s28 =	sadd.s32 $0x0, s14;
	s26 =	simm.s32 $0x8500  }
.LBB2_22:
0x64: {  	[hbm4b:s28+s2] =	stream.linear.scatter [tilespmem:s24], [sflag:$0x1], $0x80, $0x38;
	[tilespmem:$0x10000] =	vst v63  }
0x65: {  	s28 =	smov.u32 s25;
	s24 =	smov.u32 s26;
	p0 =	sne.s32 s25, $0xF80  }
.Ltmp10:
0x66: {  	s25 =	sadd.s32 $0x80, s25;
	(pc) =	sbr.rel @p0 .LBB2_22-.Ltmp10, $2  }
0x67: {  	_ =	sdelay $0x2  }
0x68: {  	s26 =	sadd.s32 $0x400, s26;
	s28 =	sadd.s32 s28, s14  }
0x69: {  	[hbm4b:s28+s2] =	stream.linear.scatter [tilespmem:s24], [sflag:$0x1], $0x80, $0x38;
	[tilespmem:$0x10000] =	vst v63  }
0x6a: {  	s24 =	simm.s32 $0x8180  }
0x6b: {  	s25 =	simm.s32 $0x80;
	s28 =	sadd.s32 $0x0, s15;
	s26 =	simm.s32 $0x8580  }
.LBB2_24:
0x6c: {  	[hbm4b:s28+s2] =	stream.linear.scatter [tilespmem:s24], [sflag:$0x1], $0x80, $0x38;
	[tilespmem:$0x10000] =	vst v63  }
0x6d: {  	s28 =	smov.u32 s25;
	s24 =	smov.u32 s26;
	p0 =	sne.s32 s25, $0xF80  }
.Ltmp11:
0x6e: {  	s25 =	sadd.s32 $0x80, s25;
	(pc) =	sbr.rel @p0 .LBB2_24-.Ltmp11, $2  }
0x6f: {  	_ =	sdelay $0x2  }
0x70: {  	s26 =	sadd.s32 $0x400, s26;
	s28 =	sadd.s32 s28, s15  }
0x71: {  	[hbm4b:s28+s2] =	stream.linear.scatter [tilespmem:s24], [sflag:$0x1], $0x80, $0x38;
	[tilespmem:$0x10000] =	vst v63  }
0x72: {  	s24 =	simm.s32 $0x8200  }
0x73: {  	s25 =	simm.s32 $0x80;
	s28 =	sadd.s32 $0x0, s16;
	s26 =	simm.s32 $0x8600  }
.LBB2_26:
0x74: {  	[hbm4b:s28+s2] =	stream.linear.scatter [tilespmem:s24], [sflag:$0x1], $0x80, $0x38;
	[tilespmem:$0x10000] =	vst v63  }
0x75: {  	s28 =	smov.u32 s25;
	s24 =	smov.u32 s26;
	p0 =	sne.s32 s25, $0xF80  }
.Ltmp12:
0x76: {  	s25 =	sadd.s32 $0x80, s25;
	(pc) =	sbr.rel @p0 .LBB2_26-.Ltmp12, $2  }
0x77: {  	_ =	sdelay $0x2  }
0x78: {  	s26 =	sadd.s32 $0x400, s26;
	s28 =	sadd.s32 s28, s16  }
0x79: {  	[hbm4b:s28+s2] =	stream.linear.scatter [tilespmem:s24], [sflag:$0x1], $0x80, $0x38;
	[tilespmem:$0x10000] =	vst v63  }
0x7a: {  	s24 =	simm.s32 $0x8280  }
0x7b: {  	s25 =	simm.s32 $0x80;
	s28 =	sadd.s32 $0x0, s17;
	s26 =	simm.s32 $0x8680  }
.LBB2_28:
0x7c: {  	[hbm4b:s28+s2] =	stream.linear.scatter [tilespmem:s24], [sflag:$0x1], $0x80, $0x38;
	[tilespmem:$0x10000] =	vst v63  }
0x7d: {  	s28 =	smov.u32 s25;
	s24 =	smov.u32 s26;
	p0 =	sne.s32 s25, $0xF80  }
.Ltmp13:
0x7e: {  	s25 =	sadd.s32 $0x80, s25;
	(pc) =	sbr.rel @p0 .LBB2_28-.Ltmp13, $2  }
0x7f: {  	_ =	sdelay $0x2  }
0x80: {  	s26 =	sadd.s32 $0x400, s26;
	s28 =	sadd.s32 s28, s17  }
0x81: {  	[hbm4b:s28+s2] =	stream.linear.scatter [tilespmem:s24], [sflag:$0x1], $0x80, $0x38;
	[tilespmem:$0x10000] =	vst v63  }
0x82: {  	s24 =	simm.s32 $0x8300  }
0x83: {  	s25 =	simm.s32 $0x80;
	s28 =	sadd.s32 $0x0, s18;
	s26 =	simm.s32 $0x8700  }
.LBB2_30:
0x84: {  	[hbm4b:s28+s2] =	stream.linear.scatter [tilespmem:s24], [sflag:$0x1], $0x80, $0x38;
	[tilespmem:$0x10000] =	vst v63  }
0x85: {  	s28 =	smov.u32 s25;
	s24 =	smov.u32 s26;
	p0 =	sne.s32 s25, $0xF80  }
.Ltmp14:
0x86: {  	s25 =	sadd.s32 $0x80, s25;
	(pc) =	sbr.rel @p0 .LBB2_30-.Ltmp14, $2  }
0x87: {  	_ =	sdelay $0x2  }
0x88: {  	s26 =	sadd.s32 $0x400, s26;
	s28 =	sadd.s32 s28, s18  }
0x89: {  	[hbm4b:s28+s2] =	stream.linear.scatter [tilespmem:s24], [sflag:$0x1], $0x80, $0x38;
	[tilespmem:$0x10000] =	vst v63  }
0x8a: {  	s24 =	simm.s32 $0x8380  }
0x8b: {  	s25 =	simm.s32 $0x80;
	s28 =	sadd.s32 $0x0, s19;
	s26 =	simm.s32 $0x8780  }
.LBB2_32:
0x8c: {  	[hbm4b:s28+s2] =	stream.linear.scatter [tilespmem:s24], [sflag:$0x1], $0x80, $0x38;
	[tilespmem:$0x10000] =	vst v63  }
0x8d: {  	s28 =	smov.u32 s25;
	s24 =	smov.u32 s26;
	p0 =	sne.s32 s25, $0xF80  }
.Ltmp15:
0x8e: {  	s25 =	sadd.s32 $0x80, s25;
	(pc) =	sbr.rel @p0 .LBB2_32-.Ltmp15, $2  }
0x8f: {  	_ =	sdelay $0x2  }
0x90: {  	s26 =	sadd.s32 $0x400, s26;
	s28 =	sadd.s32 s28, s19  }
0x91: {  	[hbm4b:s28+s2] =	stream.linear.scatter [tilespmem:s24], [sflag:$0x1], $0x80, $0x38;
	[tilespmem:$0x10000] =	vst v63  }
0x92: {  	_ =	swait.ge [sflag:s22], $0x1000  }
0x93: {  	[sflag:s22] =	ssyncset.done $0x0  }
0x94: {  	[sflag:s22] =	ssyncadd.s32 $0xFFFFF000  }
0x95: {  	_ =	swait.ge [sflag:s22], $0x1000  }
0x96: {  	[sflag:s22] =	ssyncset.done $0x0  }
0x97: {  	[sflag:s22] =	ssyncadd.s32 $0xFFFFF000  }
0x98: {  	_ =	swait.ge [sflag:s22], $0x1000  }
0x99: {  	[sflag:s22] =	ssyncset.done $0x0  }
0x9a: {  	[sflag:s22] =	ssyncadd.s32 $0xFFFFF000  }
0x9b: {  	_ =	swait.ge [sflag:s22], $0x1000  }
0x9c: {  	[sflag:s22] =	ssyncset.done $0x0  }
0x9d: {  	[sflag:s22] =	ssyncadd.s32 $0xFFFFF000  }
0x9e: {  	_ =	swait.ge [sflag:s22], $0x1000  }
0x9f: {  	[sflag:s22] =	ssyncset.done $0x0  }
0xa0: {  	[sflag:s22] =	ssyncadd.s32 $0xFFFFF000  }
0xa1: {  	_ =	swait.ge [sflag:s22], $0x1000  }
0xa2: {  	[sflag:s22] =	ssyncset.done $0x0  }
0xa3: {  	[sflag:s22] =	ssyncadd.s32 $0xFFFFF000  }
0xa4: {  	_ =	swait.ge [sflag:s22], $0x1000  }
0xa5: {  	[sflag:s22] =	ssyncset.done $0x0  }
0xa6: {  	[sflag:s22] =	ssyncadd.s32 $0xFFFFF000  }
0xa7: {  	_ =	swait.ge [sflag:s22], $0x1000  }
0xa8: {  	[sflag:s22] =	ssyncset.done $0x0  }
0xa9: {  	[sflag:s22] =	ssyncadd.s32 $0xFFFFF000  }
0xaa: {  	_ =	swait.ge [sflag:s22], $0x1000  }
0xab: {  	[sflag:s22] =	ssyncset.done $0x0  }
0xac: {  	[sflag:s22] =	ssyncadd.s32 $0xFFFFF000  }
0xad: {  	_ =	swait.ge [sflag:s22], $0x1000  }
0xae: {  	[sflag:s22] =	ssyncset.done $0x0  }
0xaf: {  	[sflag:s22] =	ssyncadd.s32 $0xFFFFF000  }
0xb0: {  	_ =	swait.ge [sflag:s22], $0x1000  }
0xb1: {  	[sflag:s22] =	ssyncset.done $0x0  }
0xb2: {  	[sflag:s22] =	ssyncadd.s32 $0xFFFFF000  }
0xb3: {  	_ =	swait.ge [sflag:s22], $0x1000  }
0xb4: {  	[sflag:s22] =	ssyncset.done $0x0  }
0xb5: {  	[sflag:s22] =	ssyncadd.s32 $0xFFFFF000  }
0xb6: {  	_ =	swait.ge [sflag:s22], $0x1000  }
0xb7: {  	[sflag:s22] =	ssyncset.done $0x0  }
0xb8: {  	[sflag:s22] =	ssyncadd.s32 $0xFFFFF000  }
0xb9: {  	_ =	swait.ge [sflag:s22], $0x1000  }
0xba: {  	[sflag:s22] =	ssyncset.done $0x0  }
0xbb: {  	s23 =	sadd.s32 $0x1, s23;
	[sflag:s22] =	ssyncadd.s32 $0xFFFFF000  }
0xbc: {  	p0 =	sne.s32 s23, s20;
	_ =	swait.ge [sflag:s22], $0x1000  }
.Ltmp16:
0xbd: {  	[sflag:s22] =	ssyncset.done $0x0;
	(pc) =	sbr.rel @p0 .LBB2_1-.Ltmp16, $4  }
0xbe: {  	[sflag:s22] =	ssyncadd.s32 $0xFFFFF000  }
0xbf: {  	_ =	swait.ge [sflag:s22], $0x1000  }
0xc0: {  	[sflag:s22] =	ssyncset.done $0x0  }
0xc1: {  	[sflag:s22] =	ssyncadd.s32 $0xFFFFF000  }
0xc2: {  	_ =	sfence.sel $0x180000  }
0xc3: {  	[bflag:$0x0] =	sbarrier.arrive $0xFFFF  }
0xc4: {  	p0 =	sne.s32 s0, $0x0;
	_ =	strace $0x90000047  }
0xc5: {  	s0 =	sadd.s32 @!p0 $0x100000, s1;
	[bflag:$0x2] =	sbarrier.arrive $0xFFFF  }
0xc6: {  	[sflag:s0] =	ssyncadd.tile.s32 @!p0 $0x1;
	_ =	shalt  }
.Lfunc_end2:
_tile_overlayer_lowered:
.L_overlay_start_2:
0xc7: {  	(tag) =	ssettag $0x2  }
0xc8: {  	s0 =	rddreg [dreg:$0x0];
	s2 =	stileid.u32  }
0xc9: {  	s1 =	rddreg [dreg:$0x1];
	p0 =	sne.s32 s2, $0x0  }
0xca: {  	s3 =	rddreg [dreg:$0x2];
	[bflag:$0x3] =	sbarrier.arrive $0xFFFF;
	s2 =	simm.s32 @!p0 $0x1C02  }
0xcb: {  	[timem:s3], [sflag:s2] =	dma.local @!p0 [hbm:s0], s1  }
0xcc: {  	s0 =	simm.s32 @!p0 $0x2  }
0xcd: {  	_ =	swait.ge @!p0 [sflag:s0], s1  }
0xce: {  	s1 =	ssub.s32 @!p0 $0x0, s1;
	[sflag:s0] =	ssyncset.done @!p0 $0x0  }
0xcf: {  	[sflag:s0] =	ssyncadd.s32 @!p0 s1  }
0xd0: {  	[bflag:$0x3] =	sbarrier.arrive $0xFFFF  }
0xd1: {  	_ =	shalt  }

</sc_bundles>
